<compile_context>
chip_gen: v7x
topology: tpu7x:2x2x1
jax: 0.10.2.dev20260603
libtpu: 0.0.44.dev20260713+nightly
codegen_flags: <defaults>
</compile_context>

<pallas_src>
import functools

import jax
import jax.numpy as jnp
from jax import lax
from jax.experimental import pallas as pl
from jax.experimental.pallas import tpu as pltpu
from jax.experimental.pallas import tpu_sc as plsc

_pc = pl.pallas_call


def _prep_body(nsc_ref, nsr_ref, ml_ref, tv_ref, par_ref, sl_ref,
               sortns_ref, tvs_ref, pars_ref, dec_ref, nsteps_ref):
    bsz = nsc_ref.shape[0]
    S = sl_ref.shape[1]
    nsc = nsc_ref[...]
    nsr = nsr_ref[...]
    ri = lax.broadcasted_iota(jnp.int32, (bsz, bsz), 0)
    ci = lax.broadcasted_iota(jnp.int32, (bsz, bsz), 1)
    before = (nsc > nsr) | ((nsc == nsr) & (ri < ci))
    rank = jnp.sum(before.astype(jnp.int32), axis=0, keepdims=True)
    Ei = (ri == rank).astype(jnp.int32)
    sortns_ref[...] = jnp.sum(Ei * ci, axis=1, keepdims=True)
    ns_s = jnp.sum(Ei * nsr, axis=1, keepdims=True)
    Ef = Ei.astype(jnp.float32)
    tvs_ref[...] = jnp.sum(Ef[:, :, None] * tv_ref[...][None, :, :], axis=1)
    pars_ref[...] = jnp.sum(Ei[:, :, None] * par_ref[...][None, :, :], axis=1)
    sl_s = jnp.sum(Ei[:, :, None] * sl_ref[...][None, :, :], axis=1)
    dec = jnp.maximum(sl_s - 1, 0)
    dec_ref[...] = dec
    si = lax.broadcasted_iota(jnp.int32, (bsz, S), 1)
    ml = ml_ref[...]
    nsteps_ref[...] = jnp.where(ns_s > si, jnp.minimum(dec, ml - 1), 0)


def _recur_body(tv_ref, emb_ref, wih_ref, whh_ref, bih_ref, bhh_ref,
                h2_ref, h_ref, c_ref):
    t = pl.program_id(0)
    H = whh_ref.shape[0]

    @pl.when(t == 0)
    def _():
        h_ref[...] = jnp.zeros_like(h_ref)
        c_ref[...] = jnp.zeros_like(c_ref)

    x = jnp.where(t == 0, tv_ref[...], emb_ref[0])
    gates = jnp.dot(x, wih_ref[...], preferred_element_type=jnp.float32)
    gates += jnp.dot(h_ref[...], whh_ref[...], preferred_element_type=jnp.float32)
    gates += bih_ref[...] + bhh_ref[...]
    i = jax.nn.sigmoid(gates[:, 0:H])
    f = jax.nn.sigmoid(gates[:, H:2 * H])
    g = jnp.tanh(gates[:, 2 * H:3 * H])
    o = jax.nn.sigmoid(gates[:, 3 * H:4 * H])
    c = f * c_ref[...] + i * g
    h = o * jnp.tanh(c)
    c_ref[...] = c
    h_ref[...] = h
    h2_ref[0] = h


def _proj_body(h2_ref, lwt_ref, lb_ref, nsteps_ref, out_ref):
    j = pl.program_id(1)
    p = jnp.dot(h2_ref[0], lwt_ref[...], preferred_element_type=jnp.float32)
    p = p + lb_ref[...]
    act = nsteps_ref[...] > j
    out_ref[...] = jnp.where(act, p, 0.0)[:, None, None, :]


def _sc_gather(table, idx):
    N, D = idx.shape[0], table.shape[1]
    info = plsc.get_sparse_core_info()
    nw = info.num_cores * info.num_subcores
    bpw = N // nw
    mesh = plsc.VectorSubcoreMesh(core_axis_name="c", subcore_axis_name="s")

    @functools.partial(
        pl.kernel, mesh=mesh,
        out_type=jax.ShapeDtypeStruct((N, D), jnp.float32),
        scratch_types=[
            pltpu.VMEM((bpw,), jnp.int32),
            pltpu.VMEM((bpw, D), jnp.float32),
            pltpu.SemaphoreType.DMA,
        ],
    )
    def gather_k(table_hbm, idx_hbm, out_hbm, idx_v, rows_v, sem):
        wid = lax.axis_index("s") * info.num_cores + lax.axis_index("c")
        base = wid * bpw
        pltpu.sync_copy(idx_hbm.at[pl.ds(base, bpw)], idx_v)
        pltpu.async_copy(table_hbm.at[idx_v], rows_v, sem).wait()
        pltpu.sync_copy(rows_v, out_hbm.at[pl.ds(base, bpw)])

    return gather_k(table, idx)


def kernel(topic_vectors, num_sents, paragraphs, sentence_lengths, max_length,
           emb_table, W_ih, W_hh, b_ih, b_hh, lin_W, lin_b):
    B, S, D = topic_vectors.shape
    T = paragraphs.shape[2]
    H = W_hh.shape[1]
    V = lin_W.shape[0]
    R = B * S

    ns = num_sents.astype(jnp.int32)
    f32, i32 = jnp.float32, jnp.int32

    sortns, tvs, pars, dec, nsteps = _pc(
        _prep_body,
        out_shape=[
            jax.ShapeDtypeStruct((B, 1), i32),
            jax.ShapeDtypeStruct((B, S * D), f32),
            jax.ShapeDtypeStruct((B, S * T), i32),
            jax.ShapeDtypeStruct((B, S), i32),
            jax.ShapeDtypeStruct((B, S), i32),
        ],
    )(ns.reshape(B, 1), ns.reshape(1, B),
      jnp.asarray(max_length, i32).reshape(1, 1),
      topic_vectors.reshape(B, S * D),
      paragraphs.astype(i32).reshape(B, S * T),
      sentence_lengths.astype(i32).reshape(B, S))

    tokens = pars.reshape(R, T).T.reshape(R * T)
    emb = _sc_gather(emb_table, tokens).reshape(T, R, D)

    H2 = _pc(
        _recur_body,
        grid=(T,),
        in_specs=[
            pl.BlockSpec((R, D), lambda t: (0, 0)),
            pl.BlockSpec((1, R, D), lambda t: (jnp.maximum(t - 1, 0), 0, 0)),
            pl.BlockSpec((D, 4 * H), lambda t: (0, 0)),
            pl.BlockSpec((H, 4 * H), lambda t: (0, 0)),
            pl.BlockSpec((1, 4 * H), lambda t: (0, 0)),
            pl.BlockSpec((1, 4 * H), lambda t: (0, 0)),
        ],
        out_specs=pl.BlockSpec((1, R, H), lambda t: (t, 0, 0)),
        out_shape=jax.ShapeDtypeStruct((T, R, H), f32),
        scratch_shapes=[pltpu.VMEM((R, H), f32), pltpu.VMEM((R, H), f32)],
    )(tvs.reshape(R, D), emb, W_ih.T, W_hh.T,
      b_ih.reshape(1, 4 * H), b_hh.reshape(1, 4 * H))

    VT = 1024
    NV = pl.cdiv(V, VT)
    preds = _pc(
        _proj_body,
        grid=(NV, T),
        in_specs=[
            pl.BlockSpec((1, R, H), lambda v, j: (jnp.minimum(j + 1, T - 1), 0, 0)),
            pl.BlockSpec((H, VT), lambda v, j: (0, v)),
            pl.BlockSpec((1, VT), lambda v, j: (0, v)),
            pl.BlockSpec((R, 1), lambda v, j: (0, 0)),
        ],
        out_specs=pl.BlockSpec((R, 1, 1, VT), lambda v, j: (0, j, 0, v)),
        out_shape=jax.ShapeDtypeStruct((R, T, 1, V), f32),
    )(H2, lin_W.T, lin_b.reshape(1, V), nsteps.reshape(R, 1))

    return (preds.reshape(B, S, T, V), pars.reshape(B, S, T), dec,
            sortns.reshape(B))

# --- scband reference (transcript-rebuilt; emitter-appended) ---
"""Pipeline reference for scband-word-lstmdecoder-45870250721768 (READ-ONLY COPY).

The authoritative reference and input builder live on the scoring server;
editing this copy changes nothing except your own understanding.
"""

import jax, jax.numpy as jnp
import numpy as np

B = 16
MAX_SENTS = 12
MAX_LEN = 20
TOPIC_DIM = 256
HIDDEN = 512
VOCAB = 5000


def setup_inputs(seed: int = 0):
    key = jax.random.key(seed)
    ks = jax.random.split(key, 11)
    s = 1.0 / np.sqrt(HIDDEN)
    return {
        "topic_vectors": jax.random.normal(ks[0], (B, MAX_SENTS, TOPIC_DIM), jnp.float32),
        "num_sents": jax.random.randint(ks[1], (B,), 0, MAX_SENTS),
        "paragraphs": jax.random.randint(ks[2], (B, MAX_SENTS, MAX_LEN), 0, VOCAB),
        "sentence_lengths": jax.random.randint(ks[3], (B, MAX_SENTS), 0, MAX_LEN),
        "max_length": MAX_LEN,
        "emb_table": jax.random.normal(ks[4], (VOCAB, TOPIC_DIM), jnp.float32) * 0.02,
        "W_ih": jax.random.uniform(ks[5], (4 * HIDDEN, TOPIC_DIM), jnp.float32, -s, s),
        "W_hh": jax.random.uniform(ks[6], (4 * HIDDEN, HIDDEN), jnp.float32, -s, s),
        "b_ih": jax.random.uniform(ks[7], (4 * HIDDEN,), jnp.float32, -s, s),
        "b_hh": jax.random.uniform(ks[8], (4 * HIDDEN,), jnp.float32, -s, s),
        "lin_W": jax.random.uniform(ks[9], (VOCAB, HIDDEN), jnp.float32, -s, s),
        "lin_b": jax.random.uniform(ks[10], (VOCAB,), jnp.float32, -s, s),
    }


def _lstm_cell(x, h, c, W_ih, W_hh, b_ih, b_hh):
    gates = x @ W_ih.T + b_ih + h @ W_hh.T + b_hh
    i, f, g, o = jnp.split(gates, 4, axis=-1)
    i = jax.nn.sigmoid(i)
    f = jax.nn.sigmoid(f)
    g = jnp.tanh(g)
    o = jax.nn.sigmoid(o)
    c2 = f * c + i * g
    h2 = o * jnp.tanh(c2)
    return h2, c2


def _forward(topic_vectors, num_sents, paragraphs, sentence_lengths, max_length,
             emb_table, W_ih, W_hh, b_ih, b_hh, lin_W, lin_b):
    # sort batch by number of sentences, descending (stable, traced)
    ns = jnp.asarray(num_sents)
    sort_ns = jnp.argsort(-ns, stable=True)
    ns_s = ns[sort_ns]
    tv = topic_vectors[sort_ns]
    par = paragraphs[sort_ns]
    sl = jnp.asarray(sentence_lengths)[sort_ns]

    hidden = W_hh.shape[1]
    vocab = lin_W.shape[0]
    bsz = tv.shape[0]
    S = tv.shape[1]
    T = par.shape[2]
    predictions = jnp.zeros((bsz, S, T, vocab), jnp.float32)

    for i in range(S):
        row_active = ns_s > i  # rows that have an i-th sentence (sorted prefix)
        topics = tv[:, i, :]
        sent = par[:, i, :]
        dec = sl[:, i] - 1
        emb = jnp.take(emb_table, sent, axis=0)  # [bsz, MAX_LEN, d]
        h = jnp.zeros((bsz, hidden), jnp.float32)
        c = jnp.zeros((bsz, hidden), jnp.float32)
        h, c = _lstm_cell(topics, h, c, W_ih, W_hh, b_ih, b_hh)
        for j in range(T - 1):
            act = row_active & (dec > j) & (j < max_length - 1)
            h2, c2 = _lstm_cell(emb[:, j, :], h, c, W_ih, W_hh, b_ih, b_hh)
            h = jnp.where(act[:, None], h2, h)
            c = jnp.where(act[:, None], c2, c)
            preds = h2 @ lin_W.T + lin_b  # dropout in eval mode = identity
            prev = predictions[:, i, j, :]
            predictions = predictions.at[:, i, j, :].set(
                jnp.where(act[:, None], preds, prev))
    return predictions, par, jnp.maximum(sl - 1, 0), sort_ns


def reference(topic_vectors, num_sents, paragraphs, sentence_lengths, max_length,
              emb_table, W_ih, W_hh, b_ih, b_hh, lin_W, lin_b):
    return _forward(topic_vectors, num_sents, paragraphs, sentence_lengths, max_length,
                    emb_table, W_ih, W_hh, b_ih, b_hh, lin_W, lin_b)

if __name__ == "__main__":
    import jax
    _d = setup_inputs()
    print(jax.jit(kernel)(*tuple(_d.values())))

</pallas_src>

<mosaic_0001>
#map = affine_map<(d0, d1) -> (0, 0)>
#map1 = affine_map<(d0, d1) -> (0)>
module attributes {stable_mosaic.version = 14 : i64} {
  func.func @gather_k(%arg0: i32, %arg1: i32, %arg2: memref<5000x256xf32, #tpu.memory_space<hbm>>, %arg3: memref<3840xi32, #tpu.memory_space<hbm>>, %arg4: memref<3840x256xf32, #tpu.memory_space<hbm>>, %arg5: memref<120xi32, #tpu.memory_space<vmem>>, %arg6: memref<120x256xf32, #tpu.memory_space<vmem>>, %arg7: memref<!tpu.dma_semaphore, #tpu.memory_space<semaphore_mem>>) attributes {dimension_semantics = [#tpu.dimension_semantics<core_parallel>, #tpu.dimension_semantics<subcore_parallel>], iteration_bounds = array<i64: 2, 16>, scalar_prefetch = 0 : i64, scratch_operands = 3 : i64, tpu.core_type = #tpu.core_type<sc_vector_subcore>, window_params = [{transform_indices = #map}, {transform_indices = #map1}, {transform_indices = #map}]} {
    %mul3A = arith.constant 2 : i32
    %mul3A_0 = arith.muli %arg1, %mul3A : i32
    %add3A = arith.addi %mul3A_0, %arg0 : i32
    %mul3A_1 = arith.constant 120 : i32
    %mul3A_2 = arith.muli %add3A, %mul3A_1 : i32
    "tpu.region"() ({
      %run_scoped3A = tpu.sem_alloc : memref<!tpu.dma_semaphore, #tpu.memory_space<semaphore_mem>>
      %dma_start3A_7 = tpu.memref_slice %arg3[%mul3A_2] : memref<3840xi32, #tpu.memory_space<hbm>> -> memref<120xi32, #tpu.memory_space<hbm>>
      %dma_start3A_8 = tpu.memref_slice %arg3[%mul3A_2] : memref<3840xi32, #tpu.memory_space<hbm>> -> memref<120xi32, #tpu.memory_space<hbm>>
      tpu.enqueue_dma source(%dma_start3A_8 : memref<120xi32, #tpu.memory_space<hbm>>) target(%arg5 : memref<120xi32, #tpu.memory_space<vmem>>) target_semaphore(%run_scoped3A : memref<!tpu.dma_semaphore, #tpu.memory_space<semaphore_mem>>)
      %dma_wait3A_9 = tpu.memref_slice %arg3[%mul3A_2] : memref<3840xi32, #tpu.memory_space<hbm>> -> memref<120xi32, #tpu.memory_space<hbm>>
      %dma_wait3A_10 = tpu.memref_slice %arg3[%mul3A_2] : memref<3840xi32, #tpu.memory_space<hbm>> -> memref<120xi32, #tpu.memory_space<hbm>>
      tpu.wait_dma2 semaphore(%run_scoped3A : memref<!tpu.dma_semaphore, #tpu.memory_space<semaphore_mem>>) src(%dma_wait3A_10 : memref<120xi32, #tpu.memory_space<hbm>>) dst(%arg5 : memref<120xi32, #tpu.memory_space<vmem>>)
      tpu.yield
    }) : () -> ()
    %dma_start3A = arith.constant 0 : i32
    %dma_start3A_3 = arith.constant 0 : i32
    %dma_start3A_4 = tpu.memref_slice %arg2[%dma_start3A, %dma_start3A_3] : memref<5000x256xf32, #tpu.memory_space<hbm>> -> memref<5000x256xf32, #tpu.memory_space<hbm>>
    tpu.enqueue_indirect_dma source(%dma_start3A_4 : memref<5000x256xf32, #tpu.memory_space<hbm>>) target(%arg6 : memref<120x256xf32, #tpu.memory_space<vmem>>) offsets(%arg5 : memref<120xi32, #tpu.memory_space<vmem>>) semaphore(%arg7 : memref<!tpu.dma_semaphore, #tpu.memory_space<semaphore_mem>>)
    %dma_wait3A = arith.constant 0 : i32
    %dma_wait3A_5 = arith.constant 0 : i32
    %dma_wait3A_6 = tpu.memref_slice %arg2[%dma_wait3A, %dma_wait3A_5] : memref<5000x256xf32, #tpu.memory_space<hbm>> -> memref<5000x256xf32, #tpu.memory_space<hbm>>
    tpu.wait_indirect_dma semaphore(%arg7 : memref<!tpu.dma_semaphore, #tpu.memory_space<semaphore_mem>>) src(%dma_wait3A_6 : memref<5000x256xf32, #tpu.memory_space<hbm>>) dst(%arg6 : memref<120x256xf32, #tpu.memory_space<vmem>>)
    "tpu.region"() ({
      %run_scoped3A = tpu.sem_alloc : memref<!tpu.dma_semaphore, #tpu.memory_space<semaphore_mem>>
      %dma_start3A_7 = arith.constant 0 : i32
      %dma_start3A_8 = tpu.memref_slice %arg4[%mul3A_2, %dma_start3A_7] : memref<3840x256xf32, #tpu.memory_space<hbm>> -> memref<120x256xf32, #tpu.memory_space<hbm>>
      %dma_start3A_9 = arith.constant 0 : i32
      %dma_start3A_10 = tpu.memref_slice %arg4[%mul3A_2, %dma_start3A_9] : memref<3840x256xf32, #tpu.memory_space<hbm>> -> memref<120x256xf32, #tpu.memory_space<hbm>>
      tpu.enqueue_dma source(%arg6 : memref<120x256xf32, #tpu.memory_space<vmem>>) target(%dma_start3A_10 : memref<120x256xf32, #tpu.memory_space<hbm>>) target_semaphore(%run_scoped3A : memref<!tpu.dma_semaphore, #tpu.memory_space<semaphore_mem>>)
      %dma_wait3A_11 = arith.constant 0 : i32
      %dma_wait3A_12 = tpu.memref_slice %arg4[%mul3A_2, %dma_wait3A_11] : memref<3840x256xf32, #tpu.memory_space<hbm>> -> memref<120x256xf32, #tpu.memory_space<hbm>>
      %dma_wait3A_13 = arith.constant 0 : i32
      %dma_wait3A_14 = tpu.memref_slice %arg4[%mul3A_2, %dma_wait3A_13] : memref<3840x256xf32, #tpu.memory_space<hbm>> -> memref<120x256xf32, #tpu.memory_space<hbm>>
      tpu.wait_dma2 semaphore(%run_scoped3A : memref<!tpu.dma_semaphore, #tpu.memory_space<semaphore_mem>>) src(%arg6 : memref<120x256xf32, #tpu.memory_space<vmem>>) dst(%dma_wait3A_14 : memref<120x256xf32, #tpu.memory_space<hbm>>)
      tpu.yield
    }) : () -> ()
    return
  }
}

module attributes {stable_mosaic.version = 14 : i64} {
  func.func @_prep_body(%arg0: memref<16x1xi32, #tpu.memory_space<vmem>>, %arg1: memref<1x16xi32, #tpu.memory_space<vmem>>, %arg2: memref<1x1xi32, #tpu.memory_space<vmem>>, %arg3: memref<16x3072xf32, #tpu.memory_space<vmem>>, %arg4: memref<16x240xi32, #tpu.memory_space<vmem>>, %arg5: memref<16x12xi32, #tpu.memory_space<vmem>>, %arg6: memref<16x1xi32, #tpu.memory_space<vmem>>, %arg7: memref<16x3072xf32, #tpu.memory_space<vmem>>, %arg8: memref<16x240xi32, #tpu.memory_space<vmem>>, %arg9: memref<16x12xi32, #tpu.memory_space<vmem>>, %arg10: memref<16x12xi32, #tpu.memory_space<vmem>>) attributes {dimension_semantics = [], scalar_prefetch = 0 : i64, scratch_operands = 0 : i64, tpu.core_type = #tpu.core_type<tc>} {
    %get3A = arith.constant 0 : index
    %get3A_0 = arith.constant 0 : index
    %get3A_1 = vector.load %arg0[%get3A, %get3A_0] : memref<16x1xi32, #tpu.memory_space<vmem>>, vector<16x1xi32>
    %get3A_2 = arith.constant 0 : index
    %get3A_3 = arith.constant 0 : index
    %get3A_4 = vector.load %arg1[%get3A_2, %get3A_3] : memref<1x16xi32, #tpu.memory_space<vmem>>, vector<1x16xi32>
    %iota3A = tpu.iota {dimensions = array<i32: 0>} : vector<16x16xi32>
    %iota3A_5 = tpu.iota {dimensions = array<i32: 1>} : vector<16x16xi32>
    %gt3A = vector.broadcast %get3A_1 : vector<16x1xi32> to vector<16x16xi32>
    %gt3A_6 = vector.broadcast %get3A_4 : vector<1x16xi32> to vector<16x16xi32>
    %gt3A_7 = arith.cmpi sgt, %gt3A, %gt3A_6 : vector<16x16xi32>
    %eq3A = vector.broadcast %get3A_1 : vector<16x1xi32> to vector<16x16xi32>
    %eq3A_8 = vector.broadcast %get3A_4 : vector<1x16xi32> to vector<16x16xi32>
    %eq3A_9 = arith.cmpi eq, %eq3A, %eq3A_8 : vector<16x16xi32>
    %lt3A = arith.cmpi slt, %iota3A, %iota3A_5 : vector<16x16xi32>
    %and3A = arith.andi %eq3A_9, %lt3A : vector<16x16xi1>
    %or3A = arith.ori %gt3A_7, %and3A : vector<16x16xi1>
    %convert_element_type3A = arith.extui %or3A : vector<16x16xi1> to vector<16x16xi32>
    %reduce_sum3A = arith.constant dense<0> : vector<16xi32>
    %reduce_sum3A_10 = vector.multi_reduction <add>, %convert_element_type3A, %reduce_sum3A [0] : vector<16x16xi32> to vector<16xi32>
    %broadcast_in_dim3A = vector.shape_cast %reduce_sum3A_10 : vector<16xi32> to vector<1x16xi32>
    %eq3A_11 = vector.broadcast %broadcast_in_dim3A : vector<1x16xi32> to vector<16x16xi32>
    %eq3A_12 = arith.cmpi eq, %iota3A, %eq3A_11 : vector<16x16xi32>
    %convert_element_type3A_13 = arith.extui %eq3A_12 : vector<16x16xi1> to vector<16x16xi32>
    %mul3A = arith.muli %convert_element_type3A_13, %iota3A_5 : vector<16x16xi32>
    %reduce_sum3A_14 = arith.constant dense<0> : vector<16xi32>
    %reduce_sum3A_15 = vector.multi_reduction <add>, %mul3A, %reduce_sum3A_14 [1] : vector<16x16xi32> to vector<16xi32>
    %broadcast_in_dim3A_16 = vector.shape_cast %reduce_sum3A_15 : vector<16xi32> to vector<16x1xi32>
    %swap3A = arith.constant 0 : index
    %swap3A_17 = arith.constant 0 : index
    %swap3A_18 = vector.load %arg6[%swap3A, %swap3A_17] : memref<16x1xi32, #tpu.memory_space<vmem>>, vector<16x1xi32>
    tpu.vector_store %arg6[%swap3A, %swap3A_17], %broadcast_in_dim3A_16 {strides = array<i32>} : memref<16x1xi32, #tpu.memory_space<vmem>>, vector<16x1xi32>,
    %mul3A_19 = vector.broadcast %get3A_4 : vector<1x16xi32> to vector<16x16xi32>
    %mul3A_20 = arith.muli %convert_element_type3A_13, %mul3A_19 : vector<16x16xi32>
    %reduce_sum3A_21 = arith.constant dense<0> : vector<16xi32>
    %reduce_sum3A_22 = vector.multi_reduction <add>, %mul3A_20, %reduce_sum3A_21 [1] : vector<16x16xi32> to vector<16xi32>
    %broadcast_in_dim3A_23 = vector.shape_cast %reduce_sum3A_22 : vector<16xi32> to vector<16x1xi32>
    %convert_element_type3A_24 = arith.sitofp %convert_element_type3A_13 : vector<16x16xi32> to vector<16x16xf32>
    %broadcast_in_dim3A_25 = vector.shape_cast %convert_element_type3A_24 : vector<16x16xf32> to vector<16x16x1xf32>
    %get3A_26 = arith.constant 0 : index
    %get3A_27 = arith.constant 0 : index
    %get3A_28 = vector.load %arg3[%get3A_26, %get3A_27] : memref<16x3072xf32, #tpu.memory_space<vmem>>, vector<16x3072xf32>
    %broadcast_in_dim3A_29 = vector.shape_cast %get3A_28 : vector<16x3072xf32> to vector<1x16x3072xf32>
    %mul3A_30 = vector.broadcast %broadcast_in_dim3A_25 : vector<16x16x1xf32> to vector<16x16x3072xf32>
    %mul3A_31 = vector.broadcast %broadcast_in_dim3A_29 : vector<1x16x3072xf32> to vector<16x16x3072xf32>
    %mul3A_32 = arith.mulf %mul3A_30, %mul3A_31 : vector<16x16x3072xf32>
    %reduce_sum3A_33 = arith.constant dense<0.000000e+00> : vector<16x3072xf32>
    %reduce_sum3A_34 = vector.multi_reduction <add>, %mul3A_32, %reduce_sum3A_33 [1] : vector<16x16x3072xf32> to vector<16x3072xf32>
    %swap3A_35 = arith.constant 0 : index
    %swap3A_36 = arith.constant 0 : index
    %swap3A_37 = vector.load %arg7[%swap3A_35, %swap3A_36] : memref<16x3072xf32, #tpu.memory_space<vmem>>, vector<16x3072xf32>
    tpu.vector_store %arg7[%swap3A_35, %swap3A_36], %reduce_sum3A_34 {strides = array<i32>} : memref<16x3072xf32, #tpu.memory_space<vmem>>, vector<16x3072xf32>,
    %broadcast_in_dim3A_38 = vector.shape_cast %convert_element_type3A_13 : vector<16x16xi32> to vector<16x16x1xi32>
    %get3A_39 = arith.constant 0 : index
    %get3A_40 = arith.constant 0 : index
    %get3A_41 = vector.load %arg4[%get3A_39, %get3A_40] : memref<16x240xi32, #tpu.memory_space<vmem>>, vector<16x240xi32>
    %broadcast_in_dim3A_42 = vector.shape_cast %get3A_41 : vector<16x240xi32> to vector<1x16x240xi32>
    %mul3A_43 = vector.broadcast %broadcast_in_dim3A_38 : vector<16x16x1xi32> to vector<16x16x240xi32>
    %mul3A_44 = vector.broadcast %broadcast_in_dim3A_42 : vector<1x16x240xi32> to vector<16x16x240xi32>
    %mul3A_45 = arith.muli %mul3A_43, %mul3A_44 : vector<16x16x240xi32>
    %reduce_sum3A_46 = arith.constant dense<0> : vector<16x240xi32>
    %reduce_sum3A_47 = vector.multi_reduction <add>, %mul3A_45, %reduce_sum3A_46 [1] : vector<16x16x240xi32> to vector<16x240xi32>
    %swap3A_48 = arith.constant 0 : index
    %swap3A_49 = arith.constant 0 : index
    %swap3A_50 = vector.load %arg8[%swap3A_48, %swap3A_49] : memref<16x240xi32, #tpu.memory_space<vmem>>, vector<16x240xi32>
    tpu.vector_store %arg8[%swap3A_48, %swap3A_49], %reduce_sum3A_47 {strides = array<i32>} : memref<16x240xi32, #tpu.memory_space<vmem>>, vector<16x240xi32>,
    %broadcast_in_dim3A_51 = vector.shape_cast %convert_element_type3A_13 : vector<16x16xi32> to vector<16x16x1xi32>
    %get3A_52 = arith.constant 0 : index
    %get3A_53 = arith.constant 0 : index
    %get3A_54 = vector.load %arg5[%get3A_52, %get3A_53] : memref<16x12xi32, #tpu.memory_space<vmem>>, vector<16x12xi32>
    %broadcast_in_dim3A_55 = vector.shape_cast %get3A_54 : vector<16x12xi32> to vector<1x16x12xi32>
    %mul3A_56 = vector.broadcast %broadcast_in_dim3A_51 : vector<16x16x1xi32> to vector<16x16x12xi32>
    %mul3A_57 = vector.broadcast %broadcast_in_dim3A_55 : vector<1x16x12xi32> to vector<16x16x12xi32>
    %mul3A_58 = arith.muli %mul3A_56, %mul3A_57 : vector<16x16x12xi32>
    %reduce_sum3A_59 = arith.constant dense<0> : vector<16x12xi32>
    %reduce_sum3A_60 = vector.multi_reduction <add>, %mul3A_58, %reduce_sum3A_59 [1] : vector<16x16x12xi32> to vector<16x12xi32>
    %sub3A = arith.constant 1 : i32
    %sub3A_61 = vector.broadcast %sub3A : i32 to vector<16x12xi32>
    %sub3A_62 = arith.subi %reduce_sum3A_60, %sub3A_61 : vector<16x12xi32>
    %max3A = arith.constant 0 : i32
    %max3A_63 = vector.broadcast %max3A : i32 to vector<16x12xi32>
    %max3A_64 = arith.maxsi %sub3A_62, %max3A_63 : vector<16x12xi32>
    %swap3A_65 = arith.constant 0 : index
    %swap3A_66 = arith.constant 0 : index
    %swap3A_67 = vector.load %arg9[%swap3A_65, %swap3A_66] : memref<16x12xi32, #tpu.memory_space<vmem>>, vector<16x12xi32>
    tpu.vector_store %arg9[%swap3A_65, %swap3A_66], %max3A_64 {strides = array<i32>} : memref<16x12xi32, #tpu.memory_space<vmem>>, vector<16x12xi32>,
    %iota3A_68 = tpu.iota {dimensions = array<i32: 1>} : vector<16x12xi32>
    %get3A_69 = arith.constant 0 : index
    %get3A_70 = arith.constant 0 : index
    %get3A_71 = vector.load %arg2[%get3A_69, %get3A_70] : memref<1x1xi32, #tpu.memory_space<vmem>>, vector<1x1xi32>
    %gt3A_72 = vector.broadcast %broadcast_in_dim3A_23 : vector<16x1xi32> to vector<16x12xi32>
    %gt3A_73 = arith.cmpi sgt, %gt3A_72, %iota3A_68 : vector<16x12xi32>
    %sub3A_74 = arith.constant 1 : i32
    %sub3A_75 = vector.broadcast %sub3A_74 : i32 to vector<1x1xi32>
    %sub3A_76 = arith.subi %get3A_71, %sub3A_75 : vector<1x1xi32>
    %min3A = vector.broadcast %sub3A_76 : vector<1x1xi32> to vector<16x12xi32>
    %min3A_77 = arith.minsi %max3A_64, %min3A : vector<16x12xi32>
    %jit3A = arith.constant 0 : i32
    %broadcast_in_dim3A_78 = vector.broadcast %jit3A : i32 to vector<16x12xi32>
    %select_n3A = arith.select %gt3A_73, %min3A_77, %broadcast_in_dim3A_78 : vector<16x12xi1>, vector<16x12xi32>
    %swap3A_79 = arith.constant 0 : index
    %swap3A_80 = arith.constant 0 : index
    %swap3A_81 = vector.load %arg10[%swap3A_79, %swap3A_80] : memref<16x12xi32, #tpu.memory_space<vmem>>, vector<16x12xi32>
    tpu.vector_store %arg10[%swap3A_79, %swap3A_80], %select_n3A {strides = array<i32>} : memref<16x12xi32, #tpu.memory_space<vmem>>, vector<16x12xi32>,
    return
  }
}

module attributes {stable_mosaic.version = 14 : i64} {
  func.func @_recur_body(%arg0: i32, %arg1: memref<192x256xf32, #tpu.memory_space<vmem>>, %arg2: memref<1x192x256xf32, #tpu.memory_space<vmem>>, %arg3: memref<256x2048xf32, #tpu.memory_space<vmem>>, %arg4: memref<512x2048xf32, #tpu.memory_space<vmem>>, %arg5: memref<1x2048xf32, #tpu.memory_space<vmem>>, %arg6: memref<1x2048xf32, #tpu.memory_space<vmem>>, %arg7: memref<1x192x512xf32, #tpu.memory_space<vmem>>, %arg8: memref<192x512xf32, #tpu.memory_space<vmem>>, %arg9: memref<192x512xf32, #tpu.memory_space<vmem>>) attributes {dimension_semantics = [#tpu.dimension_semantics<arbitrary>], iteration_bounds = array<i64: 20>, scalar_prefetch = 0 : i64, scratch_operands = 2 : i64, tpu.core_type = #tpu.core_type<tc>, window_params = [{pipeline_mode = #tpu.pipeline_mode<synchronous>, transform_indices = @transform_0, window_bounds = array<i64: 192, 256>}, {transform_indices = @transform_1, window_bounds = array<i64: 1, 192, 256>}, {pipeline_mode = #tpu.pipeline_mode<synchronous>, transform_indices = @transform_2, window_bounds = array<i64: 256, 2048>}, {pipeline_mode = #tpu.pipeline_mode<synchronous>, transform_indices = @transform_3, window_bounds = array<i64: 512, 2048>}, {pipeline_mode = #tpu.pipeline_mode<synchronous>, transform_indices = @transform_4, window_bounds = array<i64: 1, 2048>}, {pipeline_mode = #tpu.pipeline_mode<synchronous>, transform_indices = @transform_5, window_bounds = array<i64: 1, 2048>}, {transform_indices = @transform_6, window_bounds = array<i64: 1, 192, 512>}]} {
    %eq3A = arith.constant 0 : i32
    %eq3A_0 = arith.cmpi eq, %arg0, %eq3A : i32
    %convert_element_type3A = arith.extui %eq3A_0 : i1 to i32
    %cond3A = arith.constant 0 : i32
    %cond3A_1 = arith.cmpi ne, %convert_element_type3A, %cond3A : i32
    scf.if %cond3A_1 {
      %broadcast_in_dim3A = arith.constant 0.000000e+00 : f32
      %broadcast_in_dim3A_70 = vector.broadcast %broadcast_in_dim3A : f32 to vector<192x512xf32>
      %swap3A_71 = arith.constant 0 : index
      %swap3A_72 = arith.constant 0 : index
      %swap3A_73 = vector.load %arg8[%swap3A_71, %swap3A_72] : memref<192x512xf32, #tpu.memory_space<vmem>>, vector<192x512xf32>
      tpu.vector_store %arg8[%swap3A_71, %swap3A_72], %broadcast_in_dim3A_70 {strides = array<i32>} : memref<192x512xf32, #tpu.memory_space<vmem>>, vector<192x512xf32>,
      %broadcast_in_dim3A_74 = arith.constant 0.000000e+00 : f32
      %broadcast_in_dim3A_75 = vector.broadcast %broadcast_in_dim3A_74 : f32 to vector<192x512xf32>
      %swap3A_76 = arith.constant 0 : index
      %swap3A_77 = arith.constant 0 : index
      %swap3A_78 = vector.load %arg9[%swap3A_76, %swap3A_77] : memref<192x512xf32, #tpu.memory_space<vmem>>, vector<192x512xf32>
      tpu.vector_store %arg9[%swap3A_76, %swap3A_77], %broadcast_in_dim3A_75 {strides = array<i32>} : memref<192x512xf32, #tpu.memory_space<vmem>>, vector<192x512xf32>,
    } else {
    }
    %eq3A_2 = arith.constant 0 : i32
    %eq3A_3 = arith.cmpi eq, %arg0, %eq3A_2 : i32
    %get3A = arith.constant 0 : index
    %get3A_4 = arith.constant 0 : index
    %get3A_5 = vector.load %arg1[%get3A, %get3A_4] : memref<192x256xf32, #tpu.memory_space<vmem>>, vector<192x256xf32>
    %get3A_6 = arith.constant 0 : index
    %get3A_7 = arith.constant 0 : index
    %get3A_8 = arith.constant 0 : index
    %get3A_9 = vector.load %arg2[%get3A_6, %get3A_7, %get3A_8] : memref<1x192x256xf32, #tpu.memory_space<vmem>>, vector<1x192x256xf32>
    %get3A_10 = vector.shape_cast %get3A_9 : vector<1x192x256xf32> to vector<192x256xf32>
    %select_n3A = arith.select %eq3A_3, %get3A_5, %get3A_10 : vector<192x256xf32>
    %get3A_11 = arith.constant 0 : index
    %get3A_12 = arith.constant 0 : index
    %get3A_13 = vector.load %arg3[%get3A_11, %get3A_12] : memref<256x2048xf32, #tpu.memory_space<vmem>>, vector<256x2048xf32>
    %dot_general3A = arith.constant dense<0.000000e+00> : vector<192x2048xf32>
    %dot_general3A_14 = tpu.matmul %select_n3A, %get3A_13, %dot_general3A {dimension_numbers = #tpu.dot_dimension_numbers<[1], [0], [0], [1], [0, 0, 1, 1], [], []>, transpose_lhs_hint = false} : vector<192x256xf32>, vector<256x2048xf32>, vector<192x2048xf32> -> vector<192x2048xf32>
    %get3A_15 = arith.constant 0 : index
    %get3A_16 = arith.constant 0 : index
    %get3A_17 = vector.load %arg8[%get3A_15, %get3A_16] : memref<192x512xf32, #tpu.memory_space<vmem>>, vector<192x512xf32>
    %get3A_18 = arith.constant 0 : index
    %get3A_19 = arith.constant 0 : index
    %get3A_20 = vector.load %arg4[%get3A_18, %get3A_19] : memref<512x2048xf32, #tpu.memory_space<vmem>>, vector<512x2048xf32>
    %dot_general3A_21 = arith.constant dense<0.000000e+00> : vector<192x2048xf32>
    %dot_general3A_22 = tpu.matmul %get3A_17, %get3A_20, %dot_general3A_21 {dimension_numbers = #tpu.dot_dimension_numbers<[1], [0], [0], [1], [0, 0, 1, 1], [], []>, transpose_lhs_hint = false} : vector<192x512xf32>, vector<512x2048xf32>, vector<192x2048xf32> -> vector<192x2048xf32>
    %add3A = arith.addf %dot_general3A_14, %dot_general3A_22 : vector<192x2048xf32>
    %get3A_23 = arith.constant 0 : index
    %get3A_24 = arith.constant 0 : index
    %get3A_25 = vector.load %arg5[%get3A_23, %get3A_24] : memref<1x2048xf32, #tpu.memory_space<vmem>>, vector<1x2048xf32>
    %get3A_26 = arith.constant 0 : index
    %get3A_27 = arith.constant 0 : index
    %get3A_28 = vector.load %arg6[%get3A_26, %get3A_27] : memref<1x2048xf32, #tpu.memory_space<vmem>>, vector<1x2048xf32>
    %add3A_29 = arith.addf %get3A_25, %get3A_28 : vector<1x2048xf32>
    %add3A_30 = vector.broadcast %add3A_29 : vector<1x2048xf32> to vector<192x2048xf32>
    %add3A_31 = arith.addf %add3A, %add3A_30 : vector<192x2048xf32>
    %slice3A = vector.extract_strided_slice %add3A_31 {offsets = [0, 0], sizes = [192, 512], strides = [1, 1]} : vector<192x2048xf32> to vector<192x512xf32>
    %logistic3A = arith.negf %slice3A : vector<192x512xf32>
    %logistic3A_32 = math.exp %logistic3A : vector<192x512xf32>
    %logistic3A_33 = arith.constant 1.000000e+00 : f32
    %logistic3A_34 = vector.broadcast %logistic3A_33 : f32 to vector<192x512xf32>
    %logistic3A_35 = arith.addf %logistic3A_34, %logistic3A_32 : vector<192x512xf32>
    %logistic3A_36 = arith.divf %logistic3A_34, %logistic3A_35 : vector<192x512xf32>
    %slice3A_37 = vector.extract_strided_slice %add3A_31 {offsets = [0, 512], sizes = [192, 512], strides = [1, 1]} : vector<192x2048xf32> to vector<192x512xf32>
    %logistic3A_38 = arith.negf %slice3A_37 : vector<192x512xf32>
    %logistic3A_39 = math.exp %logistic3A_38 : vector<192x512xf32>
    %logistic3A_40 = arith.constant 1.000000e+00 : f32
    %logistic3A_41 = vector.broadcast %logistic3A_40 : f32 to vector<192x512xf32>
    %logistic3A_42 = arith.addf %logistic3A_41, %logistic3A_39 : vector<192x512xf32>
    %logistic3A_43 = arith.divf %logistic3A_41, %logistic3A_42 : vector<192x512xf32>
    %slice3A_44 = vector.extract_strided_slice %add3A_31 {offsets = [0, 1024], sizes = [192, 512], strides = [1, 1]} : vector<192x2048xf32> to vector<192x512xf32>
    %tanh3A = math.tanh %slice3A_44 : vector<192x512xf32>
    %slice3A_45 = vector.extract_strided_slice %add3A_31 {offsets = [0, 1536], sizes = [192, 512], strides = [1, 1]} : vector<192x2048xf32> to vector<192x512xf32>
    %logistic3A_46 = arith.negf %slice3A_45 : vector<192x512xf32>
    %logistic3A_47 = math.exp %logistic3A_46 : vector<192x512xf32>
    %logistic3A_48 = arith.constant 1.000000e+00 : f32
    %logistic3A_49 = vector.broadcast %logistic3A_48 : f32 to vector<192x512xf32>
    %logistic3A_50 = arith.addf %logistic3A_49, %logistic3A_47 : vector<192x512xf32>
    %logistic3A_51 = arith.divf %logistic3A_49, %logistic3A_50 : vector<192x512xf32>
    %get3A_52 = arith.constant 0 : index
    %get3A_53 = arith.constant 0 : index
    %get3A_54 = vector.load %arg9[%get3A_52, %get3A_53] : memref<192x512xf32, #tpu.memory_space<vmem>>, vector<192x512xf32>
    %mul3A = arith.mulf %logistic3A_43, %get3A_54 : vector<192x512xf32>
    %mul3A_55 = arith.mulf %logistic3A_36, %tanh3A : vector<192x512xf32>
    %add3A_56 = arith.addf %mul3A, %mul3A_55 : vector<192x512xf32>
    %tanh3A_57 = math.tanh %add3A_56 : vector<192x512xf32>
    %mul3A_58 = arith.mulf %logistic3A_51, %tanh3A_57 : vector<192x512xf32>
    %swap3A = arith.constant 0 : index
    %swap3A_59 = arith.constant 0 : index
    %swap3A_60 = vector.load %arg9[%swap3A, %swap3A_59] : memref<192x512xf32, #tpu.memory_space<vmem>>, vector<192x512xf32>
    tpu.vector_store %arg9[%swap3A, %swap3A_59], %add3A_56 {strides = array<i32>} : memref<192x512xf32, #tpu.memory_space<vmem>>, vector<192x512xf32>,
    %swap3A_61 = arith.constant 0 : index
    %swap3A_62 = arith.constant 0 : index
    %swap3A_63 = vector.load %arg8[%swap3A_61, %swap3A_62] : memref<192x512xf32, #tpu.memory_space<vmem>>, vector<192x512xf32>
    tpu.vector_store %arg8[%swap3A_61, %swap3A_62], %mul3A_58 {strides = array<i32>} : memref<192x512xf32, #tpu.memory_space<vmem>>, vector<192x512xf32>,
    %swap3A_64 = arith.constant 0 : index
    %swap3A_65 = arith.constant 0 : index
    %swap3A_66 = arith.constant 0 : index
    %swap3A_67 = vector.load %arg7[%swap3A_64, %swap3A_65, %swap3A_66] : memref<1x192x512xf32, #tpu.memory_space<vmem>>, vector<1x192x512xf32>
    %swap3A_68 = vector.shape_cast %swap3A_67 : vector<1x192x512xf32> to vector<192x512xf32>
    %swap3A_69 = vector.shape_cast %mul3A_58 : vector<192x512xf32> to vector<1x192x512xf32>
    tpu.vector_store %arg7[%swap3A_64, %swap3A_65, %swap3A_66], %swap3A_69 {strides = array<i32>} : memref<1x192x512xf32, #tpu.memory_space<vmem>>, vector<1x192x512xf32>,
    return
  }
  func.func @transform_0(%arg0: i32) -> (i32, i32) {
    %c0_i32 = arith.constant 0 : i32
    %c0_i32_0 = arith.constant 0 : i32
    %c0_i32_1 = arith.constant 0 : i32
    return %c0_i32, %c0_i32_0 : i32, i32
  }
  func.func @transform_1(%arg0: i32) -> (i32, i32, i32) {
    %sub3A = arith.constant 1 : i32
    %sub3A_0 = arith.subi %arg0, %sub3A : i32
    %max3A = arith.constant 0 : i32
    %max3A_1 = arith.maxsi %sub3A_0, %max3A : i32
    %c0_i32 = arith.constant 0 : i32
    %c0_i32_2 = arith.constant 0 : i32
    %c0_i32_3 = arith.constant 0 : i32
    return %max3A_1, %c0_i32, %c0_i32_2 : i32, i32, i32
  }
  func.func @transform_2(%arg0: i32) -> (i32, i32) {
    %c0_i32 = arith.constant 0 : i32
    %c0_i32_0 = arith.constant 0 : i32
    %c0_i32_1 = arith.constant 0 : i32
    return %c0_i32, %c0_i32_0 : i32, i32
  }
  func.func @transform_3(%arg0: i32) -> (i32, i32) {
    %c0_i32 = arith.constant 0 : i32
    %c0_i32_0 = arith.constant 0 : i32
    %c0_i32_1 = arith.constant 0 : i32
    return %c0_i32, %c0_i32_0 : i32, i32
  }
  func.func @transform_4(%arg0: i32) -> (i32, i32) {
    %c0_i32 = arith.constant 0 : i32
    %c0_i32_0 = arith.constant 0 : i32
    %c0_i32_1 = arith.constant 0 : i32
    return %c0_i32, %c0_i32_0 : i32, i32
  }
  func.func @transform_5(%arg0: i32) -> (i32, i32) {
    %c0_i32 = arith.constant 0 : i32
    %c0_i32_0 = arith.constant 0 : i32
    %c0_i32_1 = arith.constant 0 : i32
    return %c0_i32, %c0_i32_0 : i32, i32
  }
  func.func @transform_6(%arg0: i32) -> (i32, i32, i32) {
    %c0_i32 = arith.constant 0 : i32
    %c0_i32_0 = arith.constant 0 : i32
    %c0_i32_1 = arith.constant 0 : i32
    return %arg0, %c0_i32, %c0_i32_0 : i32, i32, i32
  }
}

module attributes {stable_mosaic.version = 14 : i64} {
  func.func @_proj_body(%arg0: i32, %arg1: i32, %arg2: memref<1x192x512xf32, #tpu.memory_space<vmem>>, %arg3: memref<512x1024xf32, #tpu.memory_space<vmem>>, %arg4: memref<1x1024xf32, #tpu.memory_space<vmem>>, %arg5: memref<192x1xi32, #tpu.memory_space<vmem>>, %arg6: memref<192x1x1x1024xf32, #tpu.memory_space<vmem>>) attributes {dimension_semantics = [#tpu.dimension_semantics<arbitrary>, #tpu.dimension_semantics<arbitrary>], iteration_bounds = array<i64: 5, 20>, scalar_prefetch = 0 : i64, scratch_operands = 0 : i64, tpu.core_type = #tpu.core_type<tc>, window_params = [{transform_indices = @transform_0, window_bounds = array<i64: 1, 192, 512>}, {transform_indices = @transform_1, window_bounds = array<i64: 512, 1024>}, {transform_indices = @transform_2, window_bounds = array<i64: 1, 1024>}, {pipeline_mode = #tpu.pipeline_mode<synchronous>, transform_indices = @transform_3, window_bounds = array<i64: 192, 1>}, {transform_indices = @transform_4, window_bounds = array<i64: 192, 1, 1, 1024>}]} {
    %get3A = arith.constant 0 : index
    %get3A_0 = arith.constant 0 : index
    %get3A_1 = arith.constant 0 : index
    %get3A_2 = vector.load %arg2[%get3A, %get3A_0, %get3A_1] : memref<1x192x512xf32, #tpu.memory_space<vmem>>, vector<1x192x512xf32>
    %get3A_3 = vector.shape_cast %get3A_2 : vector<1x192x512xf32> to vector<192x512xf32>
    %get3A_4 = arith.constant 0 : index
    %get3A_5 = arith.constant 0 : index
    %get3A_6 = vector.load %arg3[%get3A_4, %get3A_5] : memref<512x1024xf32, #tpu.memory_space<vmem>>, vector<512x1024xf32>
    %dot_general3A = arith.constant dense<0.000000e+00> : vector<192x1024xf32>
    %dot_general3A_7 = tpu.matmul %get3A_3, %get3A_6, %dot_general3A {dimension_numbers = #tpu.dot_dimension_numbers<[1], [0], [0], [1], [0, 0, 1, 1], [], []>, transpose_lhs_hint = false} : vector<192x512xf32>, vector<512x1024xf32>, vector<192x1024xf32> -> vector<192x1024xf32>
    %get3A_8 = arith.constant 0 : index
    %get3A_9 = arith.constant 0 : index
    %get3A_10 = vector.load %arg4[%get3A_8, %get3A_9] : memref<1x1024xf32, #tpu.memory_space<vmem>>, vector<1x1024xf32>
    %add3A = vector.broadcast %get3A_10 : vector<1x1024xf32> to vector<192x1024xf32>
    %add3A_11 = arith.addf %dot_general3A_7, %add3A : vector<192x1024xf32>
    %get3A_12 = arith.constant 0 : index
    %get3A_13 = arith.constant 0 : index
    %get3A_14 = vector.load %arg5[%get3A_12, %get3A_13] : memref<192x1xi32, #tpu.memory_space<vmem>>, vector<192x1xi32>
    %gt3A = vector.broadcast %arg1 : i32 to vector<192x1xi32>
    %gt3A_15 = arith.cmpi sgt, %get3A_14, %gt3A : vector<192x1xi32>
    %jit3A = arith.constant 0.000000e+00 : f32
    %broadcast_in_dim3A = vector.shape_cast %gt3A_15 : vector<192x1xi1> to vector<192x1xi1>
    %broadcast_in_dim3A_16 = vector.broadcast %broadcast_in_dim3A : vector<192x1xi1> to vector<192x1024xi1>
    %broadcast_in_dim3A_17 = vector.broadcast %jit3A : f32 to vector<192x1024xf32>
    %select_n3A = arith.select %broadcast_in_dim3A_16, %add3A_11, %broadcast_in_dim3A_17 : vector<192x1024xi1>, vector<192x1024xf32>
    %broadcast_in_dim3A_18 = vector.shape_cast %select_n3A : vector<192x1024xf32> to vector<192x1x1x1024xf32>
    %swap3A = arith.constant 0 : index
    %swap3A_19 = arith.constant 0 : index
    %swap3A_20 = arith.constant 0 : index
    %swap3A_21 = arith.constant 0 : index
    %swap3A_22 = vector.load %arg6[%swap3A, %swap3A_19, %swap3A_20, %swap3A_21] : memref<192x1x1x1024xf32, #tpu.memory_space<vmem>>, vector<192x1x1x1024xf32>
    tpu.vector_store %arg6[%swap3A, %swap3A_19, %swap3A_20, %swap3A_21], %broadcast_in_dim3A_18 {strides = array<i32>} : memref<192x1x1x1024xf32, #tpu.memory_space<vmem>>, vector<192x1x1x1024xf32>,
    return
  }
  func.func @transform_0(%arg0: i32, %arg1: i32) -> (i32, i32, i32) {
    %add3A = arith.constant 1 : i32
    %add3A_0 = arith.addi %arg1, %add3A : i32
    %min3A = arith.constant 19 : i32
    %min3A_1 = arith.minsi %add3A_0, %min3A : i32
    %c0_i32 = arith.constant 0 : i32
    %c0_i32_2 = arith.constant 0 : i32
    %c0_i32_3 = arith.constant 0 : i32
    return %min3A_1, %c0_i32, %c0_i32_2 : i32, i32, i32
  }
  func.func @transform_1(%arg0: i32, %arg1: i32) -> (i32, i32) {
    %c0_i32 = arith.constant 0 : i32
    %c0_i32_0 = arith.constant 0 : i32
    return %c0_i32, %arg0 : i32, i32
  }
  func.func @transform_2(%arg0: i32, %arg1: i32) -> (i32, i32) {
    %c0_i32 = arith.constant 0 : i32
    %c0_i32_0 = arith.constant 0 : i32
    return %c0_i32, %arg0 : i32, i32
  }
  func.func @transform_3(%arg0: i32, %arg1: i32) -> (i32, i32) {
    %c0_i32 = arith.constant 0 : i32
    %c0_i32_0 = arith.constant 0 : i32
    %c0_i32_1 = arith.constant 0 : i32
    return %c0_i32, %c0_i32_0 : i32, i32
  }
  func.func @transform_4(%arg0: i32, %arg1: i32) -> (i32, i32, i32, i32) {
    %c0_i32 = arith.constant 0 : i32
    %c0_i32_0 = arith.constant 0 : i32
    %c0_i32_1 = arith.constant 0 : i32
    return %c0_i32, %arg1, %c0_i32_0, %arg0 : i32, i32, i32, i32
  }
}

</mosaic_0001>

<sc_bundles>
// kernel: kernel.6.cloned.1.call-start
scs
__scs_entry_jumppad:
0x0: {  	(pc) =	sbr.rel $0x88, $3  }
0x1: {  	(tag) =	ssettag $0x0;
	lr =	simm.s32 $0x1  }
0x2: {  	[smem:$0x3F95] =	sst lr;
	_ =	strace $0xD0000000  }
0x3: {  	_ = 	snop  }
0x4: {  	_ = 	snop  }
0x5: {  	_ = 	snop  }
0x6: {  	_ = 	snop  }
0x7: {  	_ = 	snop  }
__scs_overlays_trampoline_lowered:
0x8: {  	[smem:$0x3FA4] =	sst s0  }
0x9: {  	[smem:$0x3FA5] =	sst s1  }
0xa: {  	[smem:$0x3FA6] =	sst s2  }
0xb: {  	[smem:$0x3FA7] =	sst s3  }
0xc: {  	[smem:$0x3FA8] =	sst s4  }
0xd: {  	[smem:$0x3FA9] =	sst s5  }
0xe: {  	[smem:$0x3FAA] =	sst s6  }
0xf: {  	[smem:$0x3FAB] =	sst s7  }
0x10: {  	[smem:$0x3FAC] =	sst s8  }
0x11: {  	[smem:$0x3FAD] =	sst s9;
	s0 =	simm.s32 @!p0 $0x0  }
0x12: {  	s1 =	sld [smem:$0x3F93];
	s0 =	simm.s32 @p0 $0x1  }
0x13: {  	[smem:$0x3FAE] =	sst s0;
	s0 =	simm.s32 @!p1 $0x0  }
0x14: {  	s2 =	sld [smem:$0x3F92];
	s0 =	simm.s32 @p1 $0x1  }
0x15: {  	[smem:$0x3FAF] =	sst s0;
	s0 =	simm.s32 @!p2 $0x0  }
0x16: {  	s3 =	sld [smem:$0x3FDB];
	s0 =	simm.s32 @p2 $0x1  }
0x17: {  	s4 =	simm.s32 $0x1BF5;
	[smem:$0x3FB1] =	sst s0  }
0x18: {  	s0 =	sld [smem:$0x3F94];
	_ =	swait.ge [sflag:s4], $0x0  }
0x19: {  	s7 =	sld [smem:$0x3F95]  }
0x1a: {  	s8 =	sadd.s32 $0xFFFFE003, lr  }
0x1b: {  	s9 =	sadd.s32 $0xFFFFFEF7, lr;
	s5 =	simm.s32 $0xFFFFFFFF;
	p2 =	slt.u32 s8, $0xFFFFF086  }
0x1c: {  	p1 =	slt.u32 s9, $0xF7A;
	s5 =	simm.s32 @!p2 $0x0  }
0x1d: {  	s5 =	simm.s32 @p1 $0x1;
	p0 =	seq.s32 s7, s2  }
0x1e: {  	s7 =	smul.u32 @!p0 $0xF7A, s2;
	p2 =	seq.s32 @!p0 s5, $0x0  }
0x1f: {  	s9 =	smul.u32 $0xF7A, s1;
	s8 =	simm.s32 @!p0 $0x1BF5;
	p2 =	por !p2, p0  }
0x20: {  	[sflag:s8] =	ssyncset.s32 @!p0 $0xFFFFF086;
	s6 =	sadd.s32 @!p0 s3, s7;
	s7 =	simm.s32 @!p0 $0x108  }
0x21: {  	s3 =	sadd.s32 s3, s9;
	s6 =	sadd.s32 @!p0 $0x88, s6;
	s7 =	simm.s32 @p2 $0x1082  }
0x22: {  	[simem:s7], [sflag:s8] =	dma.local @!p0 [hbm:s6], $0xF7A  }
0x23: {  	s9 =	sor.u32 $0xD0000000, s2;
	s6 =	simm.s32 $0x108;
	_ =	swait.ge @!p0 [sflag:s8], $0x0  }
0x24: {  	s3 =	sadd.s32 $0x88, s3;
	s6 =	simm.s32 @!p1 $0x1082;
	[sflag:s4] =	ssyncset.s32 $0xFFFFF086  }
0x25: {  	[simem:s6], [sflag:s4] =	dma.local [hbm:s3], $0xF7A  }
0x26: {  	[smem:$0x3F95] =	sst s1;
	(tag) =	ssettag s2;
	_ =	strace s9  }
0x27: {  	s1 =	sld [smem:$0x3FA5]  }
0x28: {  	s2 =	sld [smem:$0x3FA6]  }
0x29: {  	s4 =	sld [smem:$0x3FA8]  }
0x2a: {  	p0 =	seq.s32 s5, $0x0;
	s5 =	sld [smem:$0x3FA9]  }
0x2b: {  	s6 =	sld [smem:$0x3FAA]  }
0x2c: {  	s7 =	sld [smem:$0x3FAB]  }
0x2d: {  	s3 =	simm.s32 $0x108;
	s8 =	sld [smem:$0x3FAC]  }
0x2e: {  	s3 =	simm.s32 @!p0 $0x1082;
	s9 =	sld [smem:$0x3FAD]  }
0x2f: {  	lr =	sadd.s32 s0, s3;
	s0 =	sld [smem:$0x3FA4]  }
0x30: {  	s3 =	sld [smem:$0x3FA7]  }
0x31: {  	[smem:$0x3FB0] =	sst s10  }
0x32: {  	s10 =	sld [smem:$0x3FAE];
	_ =	sdelay $0x3  }
0x33: {  	p0 =	seq.s32 s10, $0x1;
	s10 =	sld [smem:$0x3FB0];
	_ =	sdelay $0x3  }
0x34: {  	[smem:$0x3FB0] =	sst s10  }
0x35: {  	s10 =	sld [smem:$0x3FAF];
	_ =	sdelay $0x3  }
0x36: {  	p1 =	seq.s32 s10, $0x1;
	s10 =	sld [smem:$0x3FB0];
	_ =	sdelay $0x3  }
0x37: {  	[smem:$0x3FB0] =	sst s10  }
0x38: {  	s10 =	sld [smem:$0x3FB1]  }
0x39: {  	_ = 	snop;
	(pc) =	sbr.ind lr, $3  }
0x3a: {  	_ = 	snop  }
0x3b: {  	_ = 	snop  }
0x3c: {  	p2 =	seq.s32 s10, $0x1;
	s10 =	sld [smem:$0x3FB0]  }
0x3d: {  	_ =	shalt  }
0x3e: {  	_ =	shalt  }
0x3f: {  	_ =	shalt  }
0x40: {  	_ =	shalt  }
0x41: {  	_ =	shalt  }
0x42: {  	_ =	shalt  }
0x43: {  	_ =	shalt  }
0x44: {  	_ =	shalt  }
0x45: {  	_ =	shalt  }
0x46: {  	_ =	shalt  }
0x47: {  	_ =	shalt  }
0x48: {  	_ =	shalt  }
0x49: {  	_ =	shalt  }
0x4a: {  	_ =	shalt  }
0x4b: {  	_ =	shalt  }
0x4c: {  	_ =	shalt  }
0x4d: {  	_ =	shalt  }
0x4e: {  	_ =	shalt  }
0x4f: {  	_ =	shalt  }
0x50: {  	_ =	shalt  }
0x51: {  	_ =	shalt  }
0x52: {  	_ =	shalt  }
0x53: {  	_ =	shalt  }
0x54: {  	_ =	shalt  }
0x55: {  	_ =	shalt  }
0x56: {  	_ =	shalt  }
0x57: {  	_ =	shalt  }
0x58: {  	_ =	shalt  }
0x59: {  	_ =	shalt  }
0x5a: {  	_ =	shalt  }
0x5b: {  	_ =	shalt  }
0x5c: {  	_ =	shalt  }
0x5d: {  	_ =	shalt  }
0x5e: {  	_ =	shalt  }
0x5f: {  	_ =	shalt  }
0x60: {  	_ =	shalt  }
0x61: {  	_ =	shalt  }
0x62: {  	_ =	shalt  }
0x63: {  	_ =	shalt  }
0x64: {  	_ =	shalt  }
0x65: {  	_ =	shalt  }
0x66: {  	_ =	shalt  }
0x67: {  	_ =	shalt  }
0x68: {  	_ =	shalt  }
0x69: {  	_ =	shalt  }
0x6a: {  	_ =	shalt  }
0x6b: {  	_ =	shalt  }
0x6c: {  	_ =	shalt  }
0x6d: {  	_ =	shalt  }
0x6e: {  	_ =	shalt  }
0x6f: {  	_ =	shalt  }
0x70: {  	_ =	shalt  }
0x71: {  	_ =	shalt  }
0x72: {  	_ =	shalt  }
0x73: {  	_ =	shalt  }
0x74: {  	_ =	shalt  }
0x75: {  	_ =	shalt  }
0x76: {  	_ =	shalt  }
0x77: {  	_ =	shalt  }
0x78: {  	_ =	shalt  }
0x79: {  	_ =	shalt  }
0x7a: {  	_ =	shalt  }
0x7b: {  	_ =	shalt  }
0x7c: {  	_ =	shalt  }
0x7d: {  	_ =	shalt  }
0x7e: {  	_ =	shalt  }
0x7f: {  	_ =	shalt  }
0x80: {  	_ =	shalt  }
0x81: {  	_ =	shalt  }
0x82: {  	_ =	shalt  }
0x83: {  	_ =	shalt  }
0x84: {  	_ =	shalt  }
0x85: {  	_ =	shalt  }
0x86: {  	_ =	shalt  }
0x87: {  	_ =	shalt  }
.Lfunc_end0:
.L_simem_size_0:
called_computation.1_lowered:
.L_overlay_start_0:
0x88: {  	s2 =	sld [smem:$0x3FD9]  }
0x89: {  	s3 =	sld [smem:$0x3FFE];
	_ =	sdelay $0x1  }
0x8a: {  	s1 =	srdreg.scid  }
0x8b: {  	s0 =	sand.u32 $0x1, s1  }
0x8c: {  	s15 =	sshll.u32 s0, $0xA;
	s2 =	sadd.s32 s3, s2  }
0x8d: {  	s2 =	sadd.s32 s2, s15  }
0x8e: {  	[smem:$0x3FBC] =	sst s2  }
0x8f: {  	_ = 	snop  }
0x90: {  	s2 =	sld [smem:$0x3FD0];
	_ =	sdelay $0x2  }
0x91: {  	s4 =	simm.s32 $0xA;
	s5 =	simm.s32 $0x10;
	s16 =	sld [smem:$0x3FC4]  }
0x92: {  	[smem:s5], [sflag:s4] =	dma.local [hbm:s2], $0x1  }
0x93: {  	_ =	swait.eq [sflag:s4], $0x1  }
0x94: {  	[sflag:s4] =	ssyncset.done $0x0  }
0x95: {  	s17 =	sld [smem:$0x10];
	[sflag:s4] =	ssyncadd.s32 $0xFFFFFFFF  }
0x96: {  	s18 =	sld [smem:$0x11];
	(tm) =	ssettm $0x1  }
0x97: {  	s19 =	sld [smem:$0x3FFB];
	_ =	sdelay $0x3  }
0x98: {  	_ =	strace s19  }
0x99: {  	s5 =	sld [smem:$0x3FFC];
	_ =	sdelay $0x3  }
0x9a: {  	_ =	strace s5  }
0x9b: {  	s5 =	sld [smem:$0x3FFD];
	_ =	sdelay $0x3  }
0x9c: {  	_ =	strace s5  }
0x9d: {  	_ =	strace $0x8FFFFFFF  }
0x9e: {  	s20 =	sld [smem:$0x3FDB];
	_ =	sdelay $0x1  }
0x9f: {  	s6 =	simm.s32 $_scs_section_size  }
0xa0: {  	s7 =	simm.s32 $_size__tile_overlayer_lowered;
	s8 =	simm.s32 $_tile_overlayer_lowered  }
0xa1: {  	s23 =	simm.s32 $0x1BFF;
	s22 =	sshll.u32 s8, $0x1;
	s5 =	sadd.s32 s6, s20  }
0xa2: {  	s9 =	simm.s32 $0x0;
	s21 =	sshll.u32 s7, $0x1;
	s7 =	sadd.s32 s22, s5  }
0xa3: {  	[timem:s9], [sflag:s23] =	dma.local [hbm:s7], s21  }
0xa4: {  	_ =	swait.ge [sflag:s23], s21  }
0xa5: {  	s6 =	ssub.s32 $0x0, s21;
	[sflag:s23] =	ssyncset.done $0x0  }
0xa6: {  	[sflag:s23] =	ssyncadd.s32 s6;
	_ =	sdelay $0x1  }
0xa7: {  	s24 =	simm.s32 $0x1B8B  }
0xa8: {  	_ =	swait.ge [sflag:s24], $0x1  }
0xa9: {  	[sflag:s24] =	ssyncset.done $0x0  }
0xaa: {  	s25 =	simm.s32 $0x1B8E;
	[sflag:s24] =	ssyncadd.s32 $0xFFFFFFFF  }
0xab: {  	s26 =	simm.s32 $execute0_lowered;
	[smem:$0x3FD2] =	sst s25  }
0xac: {  	s6 =	sshll.u32 s26, $0x1;
	_ =	strace $0x80000046;
	[dreg:$0x1] =	wrdreg $0xFFFFFFFF  }
0xad: {  	s28 =	simm.s32 $_size_execute0_lowered;
	s5 =	sadd.s32 s5, s6;
	[dreg:$0x0] =	wrdreg $0x0  }
0xae: {  	s6 =	sshll.u32 s28, $0x1;
	[dreg:$0x2] =	wrdreg s5  }
0xaf: {  	[dreg:$0x3] =	wrdreg s6  }
0xb0: {  	[dreg:$0x4] =	wrdreg $0xC0  }
0xb1: {  	_ =	task [dreg:s9], $0x5FFFF  }
0xb2: {  	[dreg:$0x1] =	wrdreg $0xFFFFFFFF  }
0xb3: {  	[dreg:$0x0] =	wrdreg $0x60  }
0xb4: {  	[dreg:$0x2] =	wrdreg s16  }
0xb5: {  	[dreg:$0x3] =	wrdreg s18  }
0xb6: {  	[dreg:$0x4] =	wrdreg s17  }
0xb7: {  	[dreg:$0x5] =	wrdreg $0x9  }
0xb8: {  	_ =	task.clear_ibuf [dreg:s9], $0x6FFFF;
	_ =	strace $0x90000046  }
0xb9: {  	s29 =	simm.s32 $0x9;
	_ =	strace $0x80000048  }
0xba: {  	_ =	swait.ge [sflag:s29], $0x1  }
0xbb: {  	[sflag:s29] =	ssyncadd.s32 $0xFFFFFFFF  }
0xbc: {  	_ =	strace $0x90000048  }
0xbd: {  	_ =	sfence  }
0xbe: {  	s30 =	sld [smem:$0x0];
	_ =	sdelay $0x2  }
0xbf: {  	s31 =	sshll.u32 s1, $0xD;
	s1 =	sshrl.u32 s1, $0x2  }
0xc0: {  	s3 =	sand.u32 $0x4000, s31;
	s1 =	sadd.s32 s1, s30  }
0xc1: {  	s0 =	sor.u32 s3, s0;
	s1 =	sshll.u32 s1, $0x11  }
0xc2: {  	s0 =	sor.u32 s1, s0  }
0xc3: {  	s0 =	sadd.s32 $0x8F2B, s0  }
0xc4: {  	[sflag:s0] =	ssyncadd.remote.s32 $0x1  }
0xc5: {  	_ =	sfence.sel $0xFFFF  }
0xc6: {  	[dreg:$0x0] =	wrdreg $0xFFFFFFFF;
	(pc) =	sbr.abs _section_cstart, $3  }
0xc7: {  	[dreg:$0x1] =	wrdreg $0xFFFFFFFF  }
0xc8: {  	_ =	task.clear_ibuf [dreg:s9], $0x2FFFF;
	_ =	strace $0x9FFFFFFF  }
0xc9: {  	(tm) =	ssettm $0x7FFFFFFF  }
tec
execute0_lowered:
.L_overlay_start_1:
0x0: {  	(tag) =	ssettag $0x1  }
0x1: {  	s1 =	rddreg [dreg:$0x0];
	s2 =	srdreg.scid  }
0x2: {  	s0 =	stileid.u32;
	s4 =	rddreg [dreg:$0x1]  }
0x3: {  	s6 =	rddreg [dreg:$0x2];
	s3 =	simm.s32 $0x0;
	s10 =	simm.s32 $0x1080  }
0x4: {  	s11 =	simm.s32 $0x1880;
	s12 =	simm.s32 $0x2080;
	s13 =	simm.s32 $0x2880  }
0x5: {  	s14 =	simm.s32 $0x3080;
	s15 =	simm.s32 $0x3880;
	s16 =	simm.s32 $0x4080  }
0x6: {  	s17 =	simm.s32 $0x4880;
	s18 =	simm.s32 $0x5080;
	s19 =	simm.s32 $0x5880  }
0x7: {  	s20 =	simm.s32 $0x6080;
	s5 =	sand.u32 $0x1, s2;
	s31 =	sshll.u32 s0, $0x1  }
0x8: {  	s21 =	simm.s32 $0x6880;
	s22 =	simm.s32 $0x7080;
	s7 =	sor.u32 s5, s31  }
0x9: {  	s23 =	simm.s32 $0x1;
	s5 =	ssub.s32 $0x2, s5;
	s8 =	smul.u32 $0xF, s7  }
0xa: {  	[smem:$0x7FF] =	sst s3;
	s7 =	smul.u32 $0xF00, s7;
	s9 =	sshrl.u32 s5, $0x1  }
0xb: {  	v2 =	vlaneseq.u32;
	s2 =	rddreg [dreg:$0x3];
	_ =	strace $0x80000047;
	s9 =	ssub.s32 s5, s9  }
0xc: {  	vm0 =	vmmov $0xffff;
	v1 =	vshrl.u32 v2, $0x3;
	s4 =	sadd.s32 s4, s8;
	s5 =	sadd.s32 s6, s7;
	s6 =	smax.u32 s9, $0x1  }
0xd: {  	v0 =	vand.u32 $0x7, v2;
	v2 =	vor.u32 $0x8, v2;
	v1 =	vmul.u32 $0x8, v1;
	s7 =	simm.s32 $0x2;
	s8 =	simm.s32 $0x80;
	s9 =	simm.s32 $0x880  }
.LBB2_1:
0xe: {  	[tilespmem:s3], [sflag:$0x2] =	stream.linear.gather [hbm4b:s4+s3], $0x78, $0x38;
	[tilespmem:$0x7880] =	vst v63  }
0xf: {  	_ =	swait.ge [sflag:s7], $0x78  }
0x10: {  	[sflag:s7] =	ssyncset.done $0x0  }
0x11: {  	[sflag:s7] =	ssyncadd.s32 $0xFFFFFF88  }
0x12: {  	v3 =	vld [tilespmem:$0x0];
	_ =	sdelay $0x4  }
0x13: {  	v4 =	vshll.u32 v3, $0x1  }
0x14: {  	v3 =	vand.u32 $0x7, v3;
	v4 =	vand.u32 $0xFFFFFFF0, v4  }
0x15: {  	v3 =	vor.u32 v3, v4  }
0x16: {  	v4 =	vperm.xlane v3, v0;
	_ =	sdelay $0x1  }
0x17: {  	v3 =	vperm.xlane v3, v2;
	v4 =	vadd.s32 v1, v4;
	_ =	sdelay $0x1  }
0x18: {  	v3 =	vadd.s32 v1, v3;
	_ =	sdelay $0x2  }
0x19: {  	[tilespmem:s8], [sflag:$0x1] =	stream.indirect_vreg.gather [hbm4b:s1+s3], $0x80, v4, vm0, $0xb8;
	[tilespmem:$0x7880] =	vst v63  }
0x1a: {  	_ = 	snop  }
0x1b: {  	[tilespmem:s9], [sflag:$0x1] =	stream.indirect_vreg.gather [hbm4b:s1+s3], $0x80, v3, vm0, $0xb8;
	[tilespmem:$0x7880] =	vst v63  }
0x1c: {  	v3 =	vld [tilespmem:$0x10];
	_ =	sdelay $0x4  }
0x1d: {  	v57 =	vshll.u32 v3, $0x1  }
0x1e: {  	v3 =	vand.u32 $0x7, v3;
	v4 =	vand.u32 $0xFFFFFFF0, v57  }
0x1f: {  	v3 =	vor.u32 v3, v4  }
0x20: {  	v4 =	vperm.xlane v3, v0;
	_ =	sdelay $0x1  }
0x21: {  	v3 =	vperm.xlane v3, v2;
	v4 =	vadd.s32 v1, v4;
	_ =	sdelay $0x1  }
0x22: {  	v3 =	vadd.s32 v1, v3;
	_ =	sdelay $0x2  }
0x23: {  	[tilespmem:s10], [sflag:$0x1] =	stream.indirect_vreg.gather [hbm4b:s1+s3], $0x80, v4, vm0, $0xb8;
	[tilespmem:$0x7880] =	vst v63  }
0x24: {  	_ = 	snop  }
0x25: {  	[tilespmem:s11], [sflag:$0x1] =	stream.indirect_vreg.gather [hbm4b:s1+s3], $0x80, v3, vm0, $0xb8;
	[tilespmem:$0x7880] =	vst v63  }
0x26: {  	v3 =	vld [tilespmem:$0x20];
	_ =	sdelay $0x4  }
0x27: {  	v58 =	vshll.u32 v3, $0x1  }
0x28: {  	v3 =	vand.u32 $0x7, v3;
	v4 =	vand.u32 $0xFFFFFFF0, v58  }
0x29: {  	v3 =	vor.u32 v3, v4  }
0x2a: {  	v4 =	vperm.xlane v3, v0;
	_ =	sdelay $0x1  }
0x2b: {  	v3 =	vperm.xlane v3, v2;
	v4 =	vadd.s32 v1, v4;
	_ =	sdelay $0x1  }
0x2c: {  	v3 =	vadd.s32 v1, v3;
	_ =	sdelay $0x2  }
0x2d: {  	[tilespmem:s12], [sflag:$0x1] =	stream.indirect_vreg.gather [hbm4b:s1+s3], $0x80, v4, vm0, $0xb8;
	[tilespmem:$0x7880] =	vst v63  }
0x2e: {  	_ = 	snop  }
0x2f: {  	[tilespmem:s13], [sflag:$0x1] =	stream.indirect_vreg.gather [hbm4b:s1+s3], $0x80, v3, vm0, $0xb8;
	[tilespmem:$0x7880] =	vst v63  }
0x30: {  	v3 =	vld [tilespmem:$0x30];
	_ =	sdelay $0x4  }
0x31: {  	v59 =	vshll.u32 v3, $0x1  }
0x32: {  	v3 =	vand.u32 $0x7, v3;
	v4 =	vand.u32 $0xFFFFFFF0, v59  }
0x33: {  	v3 =	vor.u32 v3, v4  }
0x34: {  	v4 =	vperm.xlane v3, v0;
	_ =	sdelay $0x1  }
0x35: {  	v3 =	vperm.xlane v3, v2;
	v4 =	vadd.s32 v1, v4;
	_ =	sdelay $0x1  }
0x36: {  	v3 =	vadd.s32 v1, v3;
	_ =	sdelay $0x2  }
0x37: {  	[tilespmem:s14], [sflag:$0x1] =	stream.indirect_vreg.gather [hbm4b:s1+s3], $0x80, v4, vm0, $0xb8;
	[tilespmem:$0x7880] =	vst v63  }
0x38: {  	_ = 	snop  }
0x39: {  	[tilespmem:s15], [sflag:$0x1] =	stream.indirect_vreg.gather [hbm4b:s1+s3], $0x80, v3, vm0, $0xb8;
	[tilespmem:$0x7880] =	vst v63  }
0x3a: {  	v3 =	vld [tilespmem:$0x40];
	_ =	sdelay $0x4  }
0x3b: {  	v60 =	vshll.u32 v3, $0x1  }
0x3c: {  	v3 =	vand.u32 $0x7, v3;
	v4 =	vand.u32 $0xFFFFFFF0, v60  }
0x3d: {  	v3 =	vor.u32 v3, v4  }
0x3e: {  	v4 =	vperm.xlane v3, v0;
	_ =	sdelay $0x1  }
0x3f: {  	v3 =	vperm.xlane v3, v2;
	v4 =	vadd.s32 v1, v4;
	_ =	sdelay $0x1  }
0x40: {  	v3 =	vadd.s32 v1, v3;
	_ =	sdelay $0x2  }
0x41: {  	[tilespmem:s16], [sflag:$0x1] =	stream.indirect_vreg.gather [hbm4b:s1+s3], $0x80, v4, vm0, $0xb8;
	[tilespmem:$0x7880] =	vst v63  }
0x42: {  	_ = 	snop  }
0x43: {  	[tilespmem:s17], [sflag:$0x1] =	stream.indirect_vreg.gather [hbm4b:s1+s3], $0x80, v3, vm0, $0xb8;
	[tilespmem:$0x7880] =	vst v63  }
0x44: {  	v3 =	vld [tilespmem:$0x50];
	_ =	sdelay $0x4  }
0x45: {  	v61 =	vshll.u32 v3, $0x1  }
0x46: {  	v3 =	vand.u32 $0x7, v3;
	v4 =	vand.u32 $0xFFFFFFF0, v61  }
0x47: {  	v3 =	vor.u32 v3, v4  }
0x48: {  	v4 =	vperm.xlane v3, v0;
	_ =	sdelay $0x1  }
0x49: {  	v3 =	vperm.xlane v3, v2;
	v4 =	vadd.s32 v1, v4;
	_ =	sdelay $0x1  }
0x4a: {  	v3 =	vadd.s32 v1, v3;
	_ =	sdelay $0x2  }
0x4b: {  	[tilespmem:s18], [sflag:$0x1] =	stream.indirect_vreg.gather [hbm4b:s1+s3], $0x80, v4, vm0, $0xb8;
	[tilespmem:$0x7880] =	vst v63  }
0x4c: {  	_ = 	snop  }
0x4d: {  	[tilespmem:s19], [sflag:$0x1] =	stream.indirect_vreg.gather [hbm4b:s1+s3], $0x80, v3, vm0, $0xb8;
	[tilespmem:$0x7880] =	vst v63  }
0x4e: {  	v3 =	vld [tilespmem:$0x60];
	_ =	sdelay $0x4  }
0x4f: {  	v62 =	vshll.u32 v3, $0x1  }
0x50: {  	v3 =	vand.u32 $0x7, v3;
	v4 =	vand.u32 $0xFFFFFFF0, v62  }
0x51: {  	v3 =	vor.u32 v3, v4  }
0x52: {  	v4 =	vperm.xlane v3, v0;
	_ =	sdelay $0x1  }
0x53: {  	v3 =	vperm.xlane v3, v2;
	v4 =	vadd.s32 v1, v4;
	_ =	sdelay $0x1  }
0x54: {  	v3 =	vadd.s32 v1, v3;
	_ =	sdelay $0x2  }
0x55: {  	[tilespmem:s20], [sflag:$0x1] =	stream.indirect_vreg.gather [hbm4b:s1+s3], $0x80, v4, vm0, $0xb8;
	[tilespmem:$0x7880] =	vst v63  }
0x56: {  	_ = 	snop  }
0x57: {  	[tilespmem:s21], [sflag:$0x1] =	stream.indirect_vreg.gather [hbm4b:s1+s3], $0x80, v3, vm0, $0xb8;
	[tilespmem:$0x7880] =	vst v63  }
0x58: {  	v3 =	vld.msk [tilespmem:$0x70], $0xff;
	_ =	sdelay $0x4  }
0x59: {  	v63 =	vshll.u32 v3, $0x1  }
0x5a: {  	v3 =	vand.u32 $0x7, v3;
	v4 =	vand.u32 $0xFFFFFFF0, v63  }
0x5b: {  	v3 =	vor.u32 v3, v4  }
0x5c: {  	v3 =	vperm.xlane v3, v0;
	_ =	sdelay $0x1  }
0x5d: {  	v3 =	vadd.s32 v1, v3;
	_ =	sdelay $0x4  }
0x5e: {  	[tilespmem:s22], [sflag:$0x1] =	stream.indirect_vreg.gather [hbm4b:s1+s3], $0x80, v3, vm0, $0xb8;
	[tilespmem:$0x7880] =	vst v63  }
0x5f: {  	_ =	swait.ge [sflag:s23], $0x7800  }
0x60: {  	p0 =	sne.s32 s6, $0x1;
	[sflag:s23] =	ssyncset.done $0x0  }
.Ltmp0:
0x61: {  	[sflag:s23] =	ssyncadd.s32 $0xFFFF8800;
	(pc) =	sbr.rel @p0 .LBB2_1-.Ltmp0, $4  }
0x62: {  	[hbm4b:s5+s3] =	stream.linear.scatter [tilespmem:s8], [sflag:$0x2], $0x7800, $0x38;
	[tilespmem:$0x7880] =	vst v63  }
0x63: {  	_ =	swait.ge [sflag:s7], $0x7800  }
0x64: {  	[sflag:s7] =	ssyncset.done $0x0  }
0x65: {  	s6 =	sadd.s32 $0xFFFFFFFF, s6;
	[sflag:s7] =	ssyncadd.s32 $0xFFFF8800  }
0x66: {  	_ =	sfence.sel $0x180000  }
0x67: {  	[bflag:$0x0] =	sbarrier.arrive $0xFFFF  }
0x68: {  	p0 =	sne.s32 s0, $0x0;
	_ =	strace $0x90000047  }
0x69: {  	s0 =	sadd.s32 @!p0 $0x100000, s2;
	[bflag:$0x2] =	sbarrier.arrive $0xFFFF  }
0x6a: {  	[sflag:s0] =	ssyncadd.tile.s32 @!p0 $0x1;
	_ =	shalt  }
.Lfunc_end2:
_tile_overlayer_lowered:
.L_overlay_start_2:
0x6b: {  	(tag) =	ssettag $0x2  }
0x6c: {  	s0 =	rddreg [dreg:$0x0];
	s2 =	stileid.u32  }
0x6d: {  	s1 =	rddreg [dreg:$0x1];
	p0 =	sne.s32 s2, $0x0  }
0x6e: {  	s3 =	rddreg [dreg:$0x2];
	[bflag:$0x3] =	sbarrier.arrive $0xFFFF;
	s2 =	simm.s32 @!p0 $0x1C02  }
0x6f: {  	[timem:s3], [sflag:s2] =	dma.local @!p0 [hbm:s0], s1  }
0x70: {  	s0 =	simm.s32 @!p0 $0x2  }
0x71: {  	_ =	swait.ge @!p0 [sflag:s0], s1  }
0x72: {  	s1 =	ssub.s32 @!p0 $0x0, s1;
	[sflag:s0] =	ssyncset.done @!p0 $0x0  }
0x73: {  	[sflag:s0] =	ssyncadd.s32 @!p0 s1  }
0x74: {  	[bflag:$0x3] =	sbarrier.arrive $0xFFFF  }
0x75: {  	_ =	shalt  }

// kernel: sparse-core-data-format-call.cloned.1.call-start
scs
called_computation_lowered:
.L_overlay_start_0:
0x0: {  	s2 =	sld [smem:$0x3FD9]  }
0x1: {  	s3 =	sld [smem:$0x3FFE];
	_ =	sdelay $0x1  }
0x2: {  	s1 =	srdreg.scid  }
0x3: {  	s0 =	sand.u32 $0x1, s1  }
0x4: {  	s15 =	sshll.u32 s0, $0xA;
	s2 =	sadd.s32 s3, s2  }
0x5: {  	s2 =	sadd.s32 s2, s15  }
0x6: {  	[smem:$0x3FBC] =	sst s2  }
0x7: {  	_ = 	snop  }
0x8: {  	s2 =	sld [smem:$0x3FD0];
	_ =	sdelay $0x2  }
0x9: {  	s16 =	simm.s32 $0xA;
	s4 =	simm.s32 $0x10  }
0xa: {  	[smem:s4], [sflag:s16] =	dma.local [hbm:s2], $0x1  }
0xb: {  	_ =	swait.eq [sflag:s16], $0x1  }
0xc: {  	[sflag:s16] =	ssyncset.done $0x0  }
0xd: {  	[sflag:s16] =	ssyncadd.s32 $0xFFFFFFFF  }
0xe: {  	s17 =	sld [smem:$0x10];
	(tm) =	ssettm $0x1  }
0xf: {  	s18 =	sld [smem:$0x3FFB];
	_ =	sdelay $0x3  }
0x10: {  	_ =	strace s18  }
0x11: {  	s3 =	sld [smem:$0x3FFC];
	_ =	sdelay $0x3  }
0x12: {  	_ =	strace s3  }
0x13: {  	s3 =	sld [smem:$0x3FFD];
	_ =	sdelay $0x3  }
0x14: {  	_ =	strace s3  }
0x15: {  	_ =	strace $0x8FFFFFFF  }
0x16: {  	s19 =	sld [smem:$0x3FDB];
	_ =	sdelay $0x1  }
0x17: {  	s20 =	simm.s32 $_scs_section_size  }
0x18: {  	s5 =	simm.s32 $_size__tile_overlayer_lowered;
	s6 =	simm.s32 $_tile_overlayer_lowered  }
0x19: {  	s23 =	simm.s32 $0x1BFF;
	s22 =	sshll.u32 s6, $0x1;
	s3 =	sadd.s32 s20, s19  }
0x1a: {  	s7 =	simm.s32 $0x0;
	s21 =	sshll.u32 s5, $0x1;
	s5 =	sadd.s32 s22, s3  }
0x1b: {  	[timem:s7], [sflag:s23] =	dma.local [hbm:s5], s21  }
0x1c: {  	_ =	swait.ge [sflag:s23], s21  }
0x1d: {  	s4 =	ssub.s32 $0x0, s21;
	[sflag:s23] =	ssyncset.done $0x0  }
0x1e: {  	[sflag:s23] =	ssyncadd.s32 s4;
	_ =	sdelay $0x1  }
0x1f: {  	s24 =	simm.s32 $0x1B8B  }
0x20: {  	_ =	swait.ge [sflag:s24], $0x1  }
0x21: {  	[sflag:s24] =	ssyncset.done $0x0  }
0x22: {  	s26 =	simm.s32 $0x1B8E;
	s25 =	sld [smem:$0x3FFE];
	[sflag:s24] =	ssyncadd.s32 $0xFFFFFFFF  }
0x23: {  	s27 =	simm.s32 $execute0_lowered;
	[smem:$0x3FD2] =	sst s26  }
0x24: {  	s5 =	sshll.u32 s27, $0x1;
	_ =	strace $0x80000049;
	[dreg:$0x1] =	wrdreg $0xFFFFFFFF  }
0x25: {  	s28 =	simm.s32 $_size_execute0_lowered;
	s3 =	sadd.s32 s3, s5;
	[dreg:$0x0] =	wrdreg $0x0  }
0x26: {  	s5 =	sshll.u32 s28, $0x1;
	[dreg:$0x2] =	wrdreg s3  }
0x27: {  	[dreg:$0x3] =	wrdreg s5  }
0x28: {  	[dreg:$0x4] =	wrdreg $0xC0  }
0x29: {  	_ =	task [dreg:s7], $0x5FFFF  }
0x2a: {  	[dreg:$0x1] =	wrdreg $0xFFFFFFFF  }
0x2b: {  	[dreg:$0x0] =	wrdreg $0x60  }
0x2c: {  	[dreg:$0x2] =	wrdreg s25  }
0x2d: {  	[dreg:$0x3] =	wrdreg s17  }
0x2e: {  	[dreg:$0x4] =	wrdreg $0x9  }
0x2f: {  	_ =	task.clear_ibuf [dreg:s7], $0x5FFFF;
	_ =	strace $0x90000049  }
0x30: {  	s29 =	simm.s32 $0x9;
	_ =	strace $0x8000004B  }
0x31: {  	_ =	swait.ge [sflag:s29], $0x1  }
0x32: {  	[sflag:s29] =	ssyncadd.s32 $0xFFFFFFFF  }
0x33: {  	_ =	strace $0x9000004B  }
0x34: {  	_ =	sfence  }
0x35: {  	s30 =	sld [smem:$0x0];
	_ =	sdelay $0x2  }
0x36: {  	s31 =	sshll.u32 s1, $0xD;
	s1 =	sshrl.u32 s1, $0x2  }
0x37: {  	s3 =	sand.u32 $0x4000, s31;
	s1 =	sadd.s32 s1, s30  }
0x38: {  	s0 =	sor.u32 s3, s0;
	s1 =	sshll.u32 s1, $0x11  }
0x39: {  	s0 =	sor.u32 s1, s0  }
0x3a: {  	s0 =	sadd.s32 $0x8F2B, s0  }
0x3b: {  	[sflag:s0] =	ssyncadd.remote.s32 $0x1  }
0x3c: {  	_ =	sfence.sel $0xFFFF  }
0x3d: {  	[dreg:$0x0] =	wrdreg $0xFFFFFFFF;
	(pc) =	sbr.abs _section_cstart, $3  }
0x3e: {  	[dreg:$0x1] =	wrdreg $0xFFFFFFFF  }
0x3f: {  	_ =	task.clear_ibuf [dreg:s7], $0x2FFFF;
	_ =	strace $0x9FFFFFFF  }
0x40: {  	(tm) =	ssettm $0x7FFFFFFF  }
0x41: {  	_ =	shalt  }
tec
execute0_lowered:
.L_overlay_start_1:
0x0: {  	(tag) =	ssettag $0x1  }
0x1: {  	s0 =	stileid.u32;
	s6 =	rddreg [dreg:$0x0]  }
0x2: {  	s1 =	srdreg.scid;
	s2 =	rddreg [dreg:$0x1];
	s5 =	simm.s32 $0x78  }
0x3: {  	s31 =	simm.s32 $0x2;
	s16 =	simm.s32 $0x0;
	s8 =	simm.s32 $0xA000  }
0x4: {  	s14 =	simm.s32 $0x0;
	s15 =	simm.s32 $0x0;
	s17 =	simm.s32 $0x0  }
0x5: {  	s9 =	simm.s32 $0x0;
	s11 =	stileid.u32;
	s4 =	ssub.s32 $0xC, s0  }
0x6: {  	s12 =	simm.s32 $0x0;
	s1 =	sshll.u32 s1, $0x2;
	p0 =	sgt.s32 s4, $0x0  }
0x7: {  	s13 =	simm.s32 $0x0;
	s3 =	sand.u32 $0x4, s1;
	s4 =	simm.s32 @!p0 $0x0  }
.Ltmp0:
0x8: {  	p0 =	seq.s32 s3, $0x0;
	s4 =	sadd.s32 $0xF, s4;
	(pc) =	sbr.rel .LBB1_1-.Ltmp0, $4  }
0x9: {  	s1 =	rddreg [dreg:$0x2];
	s5 =	simm.s32 @!p0 $0x50;
	s7 =	sshrl.u32 s4, $0x4  }
0xa: {  	_ =	strace $0x8000004A;
	s4 =	simm.s32 $0x1;
	s5 =	smul.u32 s5, s7  }
0xb: {  	s6 =	sadd.s32 $0x2E00, s6;
	s10 =	smov.u32 s3;
	[sflag:s4] =	ssyncpa.u1 $0x0  }
0xc: {  	p0 =	por $0x0, $0x0;
	[sflag:s31] =	ssyncpa.u1 $0x0;
	s7 =	sor.u32 $0x1, s5  }
.LBB1_7:
0xd: {  	s18 =	sadd.s32 $0x80, s9  }
0xe: {  	s14 =	sadd.s32 $0x8, s10;
	s19 =	smov.u32 s10;
	p2 =	sgt.s32 s18, $0x1387  }
0xf: {  	s19 =	smov.u32 @p2 s14  }
0x10: {  	s20 =	smov.u32 s11;
	s14 =	sadd.s32 $0x10, s11;
	p3 =	sgt.s32 s19, $0x13  }
0x11: {  	s20 =	smov.u32 @p3 s14  }
0x12: {  	s21 =	smov.u32 s12;
	s14 =	sadd.s32 $0x10, s12;
	p4 =	sgt.s32 s20, $0xB  }
0x13: {  	p1 =	slt.u32 s13, $0x2;
	s21 =	smov.u32 @p4 s14  }
0x14: {  	s16 =	smov.u32 s9;
	s18 =	simm.s32 @p2 $0x0;
	p2 =	sgt.s32 s21, $0xF  }
0x15: {  	s22 =	simm.s32 @!p1 $0x2;
	s21 =	simm.s32 @p2 $0x0;
	p2 =	sne.s32 s13, s7  }
.Ltmp1:
0x16: {  	s15 =	smov.u32 s11;
	_ =	swait.ge @!p1 [sflag:s22], $0x2000;
	(pc) =	sbr.rel @!p2 .LBB1_8-.Ltmp1, $4  }
0x17: {  	s17 =	smov.u32 s12;
	p0 =	por !p0, !p0;
	[sflag:s22] =	ssyncset.done @!p1 $0x0  }
0x18: {  	s9 =	smov.u32 s18;
	s19 =	smov.u32 @p3 s3;
	[sflag:s22] =	ssyncadd.s32 @!p1 $0xFFFFE000  }
0x19: {  	s20 =	smov.u32 @p4 s0;
	s14 =	smov.u32 s10;
	s10 =	smov.u32 s19  }
0x1a: {  	s11 =	smov.u32 s20;
	s13 =	sadd.s32 $0x1, s13;
	s12 =	smov.u32 s21  }
.LBB1_1:
0x1b: {  	p1 =	sge.u32 s13, s5  }
0x1c: {  	s18 =	sshrl.u32 @!p1 s10, $0x3  }
0x1d: {  	s19 =	sshll.u32 @!p1 s9, $0x3;
	s20 =	sshll.u32 @!p1 s10, $0x7;
	s18 =	smul.u32 @!p1 $0xA000, s18  }
0x1e: {  	s21 =	sand.u32 @!p1 $0x7F, s9;
	s19 =	sand.u32 @!p1 $0xFFFFFC00, s19;
	s20 =	sand.u32 @!p1 $0x380, s20  }
0x1f: {  	s18 =	sadd.s32 @!p1 s18, s19;
	s19 =	sor.u32 @!p1 s21, s20  }
0x20: {  	s19 =	sor.u32 @!p1 s18, s19;
	s18 =	smulhi.u32 @!p1 $0xCCCCCCCD, s18;
	_ =	sdelay $0x1  }
0x21: {  	s20 =	smulhi.u32 @!p1 $0xCCCCCCCD, s19;
	s18 =	sshrl.u32 @!p1 s18, $0xC  }
0x22: {  	s21 =	smulhi.u32 @!p1 $0xAAAAAAB, s18  }
0x23: {  	s23 =	smul.u32 @!p1 $0x2D000, s12  }
0x24: {  	s20 =	sshrl.u32 @!p1 s20, $0xC;
	s21 =	smul.u32 @!p1 $0x18, s21  }
0x25: {  	s31 =	sadd.s32 $0xFFFFFFFF, s13;
	s22 =	sxor.u32 @!p1 $0xFFFFFFFF, s13;
	s20 =	smul.u32 @!p1 $0x1400, s20  }
0x26: {  	s22 =	sshll.u32 @!p1 s22, $0xD;
	s18 =	ssub.s32 @!p1 s18, s21;
	s21 =	smul.u32 @!p1 $0x3C00, s11  }
0x27: {  	s19 =	ssub.s32 @!p1 s19, s20;
	s20 =	sadd.s32 @!p1 s6, s23;
	s18 =	smul.u32 @!p1 $0x280, s18  }
0x28: {  	s22 =	sand.u32 @!p1 $0x2000, s22;
	s20 =	sadd.s32 @!p1 s21, s20;
	s21 =	sand.u32 @!p1 $0x7, s19  }
0x29: {  	s19 =	sshrl.u32 @!p1 s19, $0x3;
	s18 =	sadd.s32 @!p1 s18, s20;
	s20 =	sshll.u32 @!p1 s21, $0x12  }
0x2a: {  	s18 =	sadd.s32 @!p1 s19, s18;
	s19 =	sor.u32 @!p1 $0x200, s20;
	s20 =	simm.s32 @!p1 $0x168000  }
0x2b: {  	[tilespmem:s22], [sflag:$0x1] =	stream.strided.gather @!p1 [hbm4b:s18+s19], $0x2000, s20, s19, $0x38;
	[tilespmem:$0x8000] =	vst v63  }
0x2c: {  	p1 =	sge.u32 s31, s5  }
.Ltmp2:
0x2d: {  	_ = 	snop;
	(pc) =	sbr.rel @p1 .LBB1_7-.Ltmp2, $1  }
0x2e: {  	_ =	sdelay $0x3  }
0x2f: {  	s18 =	simm.s32 $0x1;
	_ =	swait.ge [sflag:s4], $0x2000;
	s21 =	sshll.u32 s13, $0xD  }
0x30: {  	s18 =	simm.s32 @!p0 $0x0;
	[sflag:s4] =	ssyncset.done $0x0;
	s31 =	sand.u32 $0x2000, s21  }
0x31: {  	s21 =	simm.s32 $0x0;
	s18 =	sshll.u32 s18, $0xD;
	[sflag:s4] =	ssyncadd.s32 $0xFFFFE000  }
0x32: {  	s19 =	sor.u32 $0x4040, s18;
	s20 =	sor.u32 $0x40, s18;
	s18 =	sor.u32 $0x4000, s31  }
.LBB1_3:
0x33: {  	v0 =	vmov s20;
	_ =	sdelay $0x3  }
0x34: {  	s23 =	simm.s32 $0x0  }
0x35: {  	v6 =	vld.idx.msk [tilespmem:v0+s23+$0x30 ss:$0x1], $0xffff  }
0x36: {  	v7 =	vld.idx.msk [tilespmem:v0+s23+$0xFFFFFFC0 ss:$0x1], $0xffff  }
0x37: {  	v5 =	vld.idx.msk [tilespmem:v0+s23+$0xFFFFFFD0 ss:$0x1], $0xffff  }
0x38: {  	v4 =	vld.idx.msk [tilespmem:v0+s23+$0xFFFFFFE0 ss:$0x1], $0xffff  }
0x39: {  	v3 =	vld.idx.msk [tilespmem:v0+s23+$0xFFFFFFF0 ss:$0x1], $0xffff  }
0x3a: {  	v1 =	vld.idx.msk [tilespmem:v0+s23+$0x0 ss:$0x1], $0xffff  }
0x3b: {  	v2 =	vld.idx.msk [tilespmem:v0+s23+$0x10 ss:$0x1], $0xffff;
	[tilespmem:s19+$0x30] =	vst v6  }
0x3c: {  	s22 =	simm.s32 $0x80;
	s24 =	simm.s32 $0x400;
	[tilespmem:s19+$0xFFFFFFC0] =	vst v7;
	v6 =	vld.idx.msk [tilespmem:v0+s23+$0x20 ss:$0x1], $0xffff;
	s23 =	smov.u32 s19  }
.LBB1_4:
0x3d: {  	p1 =	sne.s32 s24, $0x600;
	v7 =	vld.idx.msk [tilespmem:v0+s22+$0x30 ss:$0x1], $0xffff;
	[tilespmem:s23+$0xFFFFFFD0] =	vst v5  }
0x3e: {  	v8 =	vld.idx.msk [tilespmem:v0+s22+$0xFFFFFFC0 ss:$0x1], $0xffff;
	[tilespmem:s23+$0xFFFFFFE0] =	vst v4  }
0x3f: {  	v5 =	vld.idx.msk [tilespmem:v0+s22+$0xFFFFFFD0 ss:$0x1], $0xffff;
	[tilespmem:s23+$0xFFFFFFF0] =	vst v3  }
.Ltmp3:
0x40: {  	v4 =	vld.idx.msk [tilespmem:v0+s22+$0xFFFFFFE0 ss:$0x1], $0xffff;
	[tilespmem:s23+$0x0] =	vst v1;
	(pc) =	sbr.rel @p1 .LBB1_4-.Ltmp3, $4  }
0x41: {  	v3 =	vld.idx.msk [tilespmem:v0+s22+$0xFFFFFFF0 ss:$0x1], $0xffff;
	[tilespmem:s23+$0x10] =	vst v2  }
0x42: {  	v1 =	vld.idx.msk [tilespmem:v0+s22+$0x0 ss:$0x1], $0xffff;
	[tilespmem:s23+$0x20] =	vst v6;
	s23 =	sadd.s32 $0x800, s23  }
0x43: {  	v2 =	vld.idx.msk [tilespmem:v0+s22+$0x10 ss:$0x1], $0xffff;
	[tilespmem:s23+$0x30] =	vst v7  }
0x44: {  	[tilespmem:s23+$0xFFFFFFC0] =	vst v8;
	v6 =	vld.idx.msk [tilespmem:v0+s22+$0x20 ss:$0x1], $0xffff;
	s22 =	sshra.s32 s24, $0x2;
	s24 =	sadd.s32 $0x200, s24  }
0x45: {  	_ =	sdelay $0x2  }
0x46: {  	[tilespmem:s23+$0xFFFFFFD0] =	vst v5  }
0x47: {  	v56 =	vld.idx.msk [tilespmem:v0+s22+$0x30 ss:$0x1], $0xffff;
	[tilespmem:s23+$0xFFFFFFE0] =	vst v4  }
0x48: {  	v57 =	vld.idx.msk [tilespmem:v0+s22+$0xFFFFFFC0 ss:$0x1], $0xffff;
	[tilespmem:s23+$0xFFFFFFF0] =	vst v3  }
0x49: {  	v58 =	vld.idx.msk [tilespmem:v0+s22+$0xFFFFFFD0 ss:$0x1], $0xffff;
	[tilespmem:s23+$0x0] =	vst v1  }
0x4a: {  	v59 =	vld.idx.msk [tilespmem:v0+s22+$0xFFFFFFE0 ss:$0x1], $0xffff;
	[tilespmem:s23+$0x10] =	vst v2  }
0x4b: {  	v60 =	vld.idx.msk [tilespmem:v0+s22+$0xFFFFFFF0 ss:$0x1], $0xffff;
	s31 =	sadd.s32 $0x800, s23;
	[tilespmem:s23+$0x20] =	vst v6  }
0x4c: {  	v61 =	vld.idx.msk [tilespmem:v0+s22+$0x0 ss:$0x1], $0xffff;
	[tilespmem:s31+$0x30] =	vst v56  }
0x4d: {  	v62 =	vld.idx.msk [tilespmem:v0+s22+$0x10 ss:$0x1], $0xffff;
	s21 =	sadd.s32 $0x1, s21;
	[tilespmem:s31+$0xFFFFFFC0] =	vst v57  }
0x4e: {  	v63 =	vld.idx.msk [tilespmem:v0+s22+$0x20 ss:$0x1], $0xffff;
	p1 =	sne.s32 s21, $0x10;
	[tilespmem:s31+$0xFFFFFFD0] =	vst v58  }
.Ltmp4:
0x4f: {  	[tilespmem:s31+$0xFFFFFFE0] =	vst v59;
	(pc) =	sbr.rel @p1 .LBB1_3-.Ltmp4, $4  }
0x50: {  	[tilespmem:s31+$0xFFFFFFF0] =	vst v60  }
0x51: {  	[tilespmem:s31+$0x0] =	vst v61  }
0x52: {  	[tilespmem:s31+$0x10] =	vst v62  }
0x53: {  	s19 =	sadd.s32 $0x80, s19;
	s20 =	sadd.s32 $0x200, s20;
	[tilespmem:s31+$0x20] =	vst v63  }
0x54: {  	s19 =	sshrl.u32 s17, $0x3  }
0x55: {  	s20 =	sshll.u32 s16, $0x3;
	s27 =	sshll.u32 s17, $0x7;
	s19 =	smul.u32 $0xA000, s19  }
0x56: {  	s28 =	sand.u32 $0x7F, s16;
	s20 =	sand.u32 $0xFFFFFC00, s20;
	s17 =	sand.u32 $0x380, s27  }
0x57: {  	s16 =	sor.u32 s17, s28;
	s19 =	sadd.s32 s19, s20  }
0x58: {  	s16 =	sor.u32 s19, s16;
	s19 =	smulhi.u32 $0xCCCCCCCD, s19  }
0x59: {  	s29 =	smulhi.u32 $0xCCCCCCCD, s16  }
0x5a: {  	s15 =	smul.u32 $0x32000, s15  }
0x5b: {  	s14 =	smul.u32 $0x2800, s14;
	s19 =	sshrl.u32 s19, $0xC;
	s17 =	sshrl.u32 s29, $0xC  }
0x5c: {  	s19 =	sand.u32 $0xF, s19;
	s17 =	smul.u32 $0x1400, s17  }
0x5d: {  	s30 =	smul.u32 $0x280, s19  }
.Ltmp5:
0x5e: {  	s15 =	sadd.s32 s2, s15;
	s16 =	ssub.s32 s16, s17;
	(pc) =	sbr.rel .LBB1_7-.Ltmp5, $4  }
0x5f: {  	s14 =	sadd.s32 s14, s15;
	s31 =	sand.u32 $0x7, s16  }
0x60: {  	s14 =	sadd.s32 s30, s14;
	s16 =	sshrl.u32 s16, $0x3;
	s15 =	sshll.u32 s31, $0x12  }
0x61: {  	s14 =	sadd.s32 s16, s14;
	s15 =	sor.u32 $0x400, s15  }
0x62: {  	[hbm4b:s14+s15] =	stream.strided.scatter [tilespmem:s18], [sflag:$0x2], $0x2000, s8, s15, $0x38;
	[tilespmem:$0x8000] =	vst v63  }
.LBB1_8:
0x63: {  	_ =	sfence.sel $0x180000  }
0x64: {  	s2 =	simm.s32 $0x1;
	[bflag:$0x0] =	sbarrier.arrive $0xFFFF  }
0x65: {  	s31 =	simm.s32 $0x2;
	[sflag:s2] =	ssyncpa.u1 $0x1  }
0x66: {  	[sflag:s31] =	ssyncpa.u1 $0x1  }
0x67: {  	p0 =	sne.s32 s0, $0x0;
	_ =	strace $0x9000004A  }
0x68: {  	s0 =	sadd.s32 @!p0 $0x100000, s1;
	[bflag:$0x2] =	sbarrier.arrive $0xFFFF  }
0x69: {  	[sflag:s0] =	ssyncadd.tile.s32 @!p0 $0x1;
	_ =	shalt  }
.Lfunc_end1:
_tile_overlayer_lowered:
.L_overlay_start_2:
0x6a: {  	(tag) =	ssettag $0x2  }
0x6b: {  	s0 =	rddreg [dreg:$0x0];
	s2 =	stileid.u32  }
0x6c: {  	s1 =	rddreg [dreg:$0x1];
	p0 =	sne.s32 s2, $0x0  }
0x6d: {  	s3 =	rddreg [dreg:$0x2];
	[bflag:$0x3] =	sbarrier.arrive $0xFFFF;
	s2 =	simm.s32 @!p0 $0x1C01  }
0x6e: {  	[timem:s3], [sflag:s2] =	dma.local @!p0 [hbm:s0], s1  }
0x6f: {  	s0 =	simm.s32 @!p0 $0x1  }
0x70: {  	_ =	swait.ge @!p0 [sflag:s0], s1  }
0x71: {  	s1 =	ssub.s32 @!p0 $0x0, s1;
	[sflag:s0] =	ssyncset.done @!p0 $0x0  }
0x72: {  	[sflag:s0] =	ssyncadd.s32 @!p0 s1  }
0x73: {  	[bflag:$0x3] =	sbarrier.arrive $0xFFFF  }
0x74: {  	_ =	shalt  }

</sc_bundles>
